<compile_context>
chip_gen: v7x
topology: tpu7x:2x2x1
jax: 0.10.2.dev20260603
libtpu: 0.0.44.dev20260713+nightly
codegen_flags: <defaults>
</compile_context>

<pallas_src>
import functools

import jax
import jax.numpy as jnp
from jax import lax
from jax.experimental import pallas as pl
from jax.experimental.pallas import tpu as pltpu
from jax.experimental.pallas import tpu_sc as plsc

_N = 10000
_E = 320000
_D = 128
_NCLS = 4
_NC = 2
_NS = 16
_NW = _NC * _NS
_EPW = _E // _NW
_CHUNK = 80
_EPW_P = 10000
_NCHUNKS = _EPW_P // _CHUNK
_EPAD = _EPW_P - _EPW
_NPAD = 10240
_RPT = _NPAD // _NS

_ROW_BLK = 1000
_NBLK = _N // _ROW_BLK


def _segment_sum_sc(feats, src, dst, zeros):
    mesh = plsc.VectorSubcoreMesh(core_axis_name="c", subcore_axis_name="s")

    @functools.partial(
        pl.kernel,
        out_type=jax.ShapeDtypeStruct((_NC, _NPAD, _D), jnp.float32),
        mesh=mesh,
        scratch_types=[
            pltpu.VMEM_SHARED((_NPAD, _D), jnp.float32),
            pltpu.VMEM((_EPW_P,), jnp.int32),
            pltpu.VMEM((_CHUNK,), jnp.int32),
            pltpu.VMEM((_CHUNK,), jnp.int32),
            pltpu.VMEM((_CHUNK,), jnp.int32),
            pltpu.VMEM((_CHUNK, _D), jnp.float32),
            pltpu.VMEM((_CHUNK, _D), jnp.float32),
            pltpu.VMEM((_CHUNK, _D), jnp.float32),
            pltpu.SemaphoreType.DMA,
            pltpu.SemaphoreType.DMA,
            pltpu.SemaphoreType.DMA,
            pltpu.SemaphoreType.DMA,
            pltpu.SemaphoreType.DMA,
            pltpu.SemaphoreType.DMA,
            pltpu.SemaphoreType.DMA,
            pltpu.SemaphoreType.DMA,
        ],
    )
    def seg_sum(feats_hbm, src_hbm, dst_hbm, z_hbm, out_hbm,
                acc_sh, src_v, db_a, db_b, db_c, rows_a, rows_b, rows_c,
                sem_a, sem_b, sem_c, semd_a, semd_b, semd_c, sem_s, sem_z):
        c = lax.axis_index("c")
        s = lax.axis_index("s")
        wid = s * _NC + c
        r0 = s * _RPT
        base = wid * _EPW_P
        pltpu.async_copy(src_hbm.at[pl.ds(base, _EPW_P)], src_v, sem_s)
        pltpu.async_copy(z_hbm.at[pl.ds(r0, _RPT)],
                         acc_sh.at[pl.ds(r0, _RPT)], sem_z)
        pltpu.make_async_copy(src_hbm.at[pl.ds(base, _EPW_P)], src_v,
                              sem_s).wait()

        def fire(i, buf, sem):
            pltpu.async_copy(
                feats_hbm.at[src_v.at[pl.ds(i * _CHUNK, _CHUNK)]], buf, sem)

        def fire_dst(i, db, semd):
            pltpu.async_copy(
                dst_hbm.at[pl.ds(base + i * _CHUNK, _CHUNK)], db, semd)

        def wait(i, buf, sem):
            pltpu.make_async_copy(
                feats_hbm.at[src_v.at[pl.ds(i * _CHUNK, _CHUNK)]], buf,
                sem).wait()

        def wait_dst(i, db, semd):
            pltpu.make_async_copy(
                dst_hbm.at[pl.ds(base + i * _CHUNK, _CHUNK)], db, semd).wait()

        rows = (rows_a, rows_b, rows_c)
        sems = (sem_a, sem_b, sem_c)
        dbs = (db_a, db_b, db_c)
        semds = (semd_a, semd_b, semd_c)

        def slot(i, p_wait, p_fire, do_fire):
            if do_fire:
                fire(i + 2, rows[p_fire], sems[p_fire])
                fire_dst(i + 2, dbs[p_fire], semds[p_fire])
            wait(i, rows[p_wait], sems[p_wait])
            wait_dst(i, dbs[p_wait], semds[p_wait])
            pltpu.sync_copy(rows[p_wait], acc_sh.at[dbs[p_wait]], add=True)

        fire(0, rows_a, sem_a)
        fire_dst(0, db_a, semd_a)
        fire(1, rows_b, sem_b)
        fire_dst(1, db_b, semd_b)
        pltpu.make_async_copy(z_hbm.at[pl.ds(r0, _RPT)],
                              acc_sh.at[pl.ds(r0, _RPT)], sem_z).wait()
        plsc.subcore_barrier()

        def step(j, carry):
            i0 = 3 * j
            slot(i0, 0, 2, True)
            slot(i0 + 1, 1, 0, True)
            slot(i0 + 2, 2, 1, True)
            return carry

        lax.fori_loop(0, _NCHUNKS // 3, step, 0)
        slot(_NCHUNKS - 2, (_NCHUNKS - 2) % 3, 0, False)
        slot(_NCHUNKS - 1, (_NCHUNKS - 1) % 3, 0, False)

        plsc.subcore_barrier()
        pltpu.sync_copy(acc_sh.at[pl.ds(r0, _RPT)],
                        out_hbm.at[c, pl.ds(r0, _RPT)])

    return seg_sum(feats, src, dst, zeros)


def _layer1_tc(agg, x, W1, R1, b1):

    def body(aA, aB, xr, Wr, Rr, br, hr):
        a = aA[0] + aB[0]
        h = (jnp.dot(a, Wr[...], preferred_element_type=jnp.float32)
             + jnp.dot(xr[...], Rr[...], preferred_element_type=jnp.float32)
             + br[...])
        hr[...] = jnp.maximum(h, 0.0)

    blk = pl.BlockSpec((1, _ROW_BLK, _D), lambda i: (0, i, 0))
    blk2 = pl.BlockSpec((1, _ROW_BLK, _D), lambda i: (1, i, 0))
    rblk = pl.BlockSpec((_ROW_BLK, _D), lambda i: (i, 0))
    wblk = pl.BlockSpec((_D, _D), lambda i: (0, 0))
    bblk = pl.BlockSpec((1, _D), lambda i: (0, 0))
    return pl.pallas_call(
        body,
        grid=(_NBLK,),
        in_specs=[blk, blk2, rblk, wblk, wblk, bblk],
        out_specs=rblk,
        out_shape=jax.ShapeDtypeStruct((_N, _D), jnp.float32),
    )(agg, agg, x, W1, R1, b1.reshape(1, _D))


def _layer2_tc(agg, h1, W2, R2, b2, Wc1, bc1, Wc2p, bc2p):

    def body(aA, aB, h1r, W2r, R2r, b2r, Wc1r, bc1r, Wc2r, bc2r, h2r, outr):
        a = aA[0] + aB[0]
        h2 = (jnp.dot(a, W2r[...], preferred_element_type=jnp.float32)
              + jnp.dot(h1r[...], R2r[...], preferred_element_type=jnp.float32)
              + b2r[...])
        h2r[...] = h2
        t = jnp.maximum(
            jnp.dot(h2, Wc1r[...], preferred_element_type=jnp.float32)
            + bc1r[...], 0.0)
        o = (jnp.dot(t, Wc2r[...], preferred_element_type=jnp.float32)
             + bc2r[...])
        outr[...] = o[:, :_NCLS]

    blk = pl.BlockSpec((1, _ROW_BLK, _D), lambda i: (0, i, 0))
    blk2 = pl.BlockSpec((1, _ROW_BLK, _D), lambda i: (1, i, 0))
    rblk = pl.BlockSpec((_ROW_BLK, _D), lambda i: (i, 0))
    wblk = pl.BlockSpec((_D, _D), lambda i: (0, 0))
    bblk = pl.BlockSpec((1, _D), lambda i: (0, 0))
    return pl.pallas_call(
        body,
        grid=(_NBLK,),
        in_specs=[blk, blk2, rblk, wblk, wblk, bblk, wblk, bblk, wblk, bblk],
        out_specs=[rblk, pl.BlockSpec((_ROW_BLK, _NCLS), lambda i: (i, 0))],
        out_shape=[jax.ShapeDtypeStruct((_N, _D), jnp.float32),
                   jax.ShapeDtypeStruct((_N, _NCLS), jnp.float32)],
    )(agg, agg, h1, W2, R2, b2.reshape(1, _D), Wc1, bc1.reshape(1, _D),
      Wc2p, bc2p.reshape(1, _D))


def kernel(x, edge_index, W1, b1, R1, W2, b2, R2, Wc1, bc1, Wc2, bc2):
    if _EPAD:
        pad_src = jnp.zeros((_NW, _EPAD), jnp.int32)
        pad_dst = jnp.broadcast_to(_N + jnp.arange(_EPAD, dtype=jnp.int32),
                                   (_NW, _EPAD))
        src = jnp.concatenate(
            [edge_index[0].reshape(_NW, _EPW), pad_src], axis=1).reshape(-1)
        dst = jnp.concatenate(
            [edge_index[1].reshape(_NW, _EPW), pad_dst], axis=1).reshape(-1)
    else:
        src = edge_index[0]
        dst = edge_index[1]
    zeros = jnp.zeros((_NPAD, _D), jnp.float32)

    agg1 = _segment_sum_sc(x, src, dst, zeros)
    h1 = _layer1_tc(agg1, x, W1, R1, b1)
    agg2 = _segment_sum_sc(h1, src, dst, zeros)

    Wc2p = jnp.zeros((_D, _D), jnp.float32).at[:, :_NCLS].set(Wc2)
    bc2p = jnp.zeros((_D,), jnp.float32).at[:_NCLS].set(bc2)
    h2, out = _layer2_tc(agg2, h1, W2, R2, b2, Wc1, bc1, Wc2p, bc2p)

    node_mask = jax.random.uniform(jax.random.key(1), (_N, 1)) > 0.2
    return (out, node_mask, h2)

# --- scband reference (transcript-rebuilt; emitter-appended) ---
"""Pipeline reference for scband-graph-net-mtl-18382460027235 (READ-ONLY COPY).

The authoritative reference and input builder live on the scoring server;
editing this copy changes nothing except your own understanding.
"""

import jax, jax.numpy as jnp
import numpy as np

N = 10000
E = 320000
IN_DIM = 128
EMBED = 128
FC = 128
NCLS = 4
NODE_DROP = 0.2


def _glorotish(key, shape, fan_in):
    return jax.random.uniform(key, shape, jnp.float32, -1.0, 1.0) / np.sqrt(fan_in)


def setup_inputs(seed: int = 0) -> dict:
    key = jax.random.key(seed)
    ks = jax.random.split(key, 12)
    x = jax.random.normal(ks[0], (N, IN_DIM), dtype=jnp.float32)
    edge_index = jax.random.randint(ks[1], (2, E), 0, N, dtype=jnp.int32)
    # conv1: GraphConv(in_dim -> embed), lin_rel (with bias) + lin_root (no bias)
    W1 = _glorotish(ks[2], (IN_DIM, EMBED), IN_DIM)
    b1 = jnp.zeros((EMBED,), dtype=jnp.float32)
    R1 = _glorotish(ks[3], (IN_DIM, EMBED), IN_DIM)
    # conv2: GraphConv(embed -> embed)
    W2 = _glorotish(ks[4], (EMBED, EMBED), EMBED)
    b2 = jnp.zeros((EMBED,), dtype=jnp.float32)
    R2 = _glorotish(ks[5], (EMBED, EMBED), EMBED)
    # classifier_stance: Linear(embed, fc) -> ReLU -> Linear(fc, n_classes_stance)
    Wc1 = _glorotish(ks[6], (EMBED, FC), EMBED)
    bc1 = jnp.zeros((FC,), dtype=jnp.float32)
    Wc2 = _glorotish(ks[7], (FC, NCLS), FC)
    bc2 = jnp.zeros((NCLS,), dtype=jnp.float32)
    return {
        "x": x, "edge_index": edge_index,
        "W1": W1, "b1": b1, "R1": R1,
        "W2": W2, "b2": b2, "R2": R2,
        "Wc1": Wc1, "bc1": bc1, "Wc2": Wc2, "bc2": bc2,
    }


def reference(x, edge_index, W1, b1, R1, W2, b2, R2, Wc1, bc1, Wc2, bc2):
    # eval mode: node-drop mask is generated but NOT applied; dropout inactive.
    src = edge_index[0]
    dst = edge_index[1]
    # GraphConv (aggr='add'): out = lin_rel(sum_{j->i} x_j) + lin_root(x_i)
    agg1 = jax.ops.segment_sum(jnp.take(x, src, axis=0), dst, num_segments=N)
    h1 = agg1 @ W1 + b1 + x @ R1
    h1 = jax.nn.relu(h1)
    agg2 = jax.ops.segment_sum(jnp.take(h1, src, axis=0), dst, num_segments=N)
    h2 = agg2 @ W2 + b2 + h1 @ R2
    out = jax.nn.relu(h2 @ Wc1 + bc1) @ Wc2 + bc2
    node_mask = jax.random.uniform(jax.random.key(1), (N, 1)) > NODE_DROP
    return (out, node_mask, h2)

if __name__ == "__main__":
    import jax
    _d = setup_inputs()
    print(jax.jit(kernel)(*tuple(_d.values())))

</pallas_src>

<mosaic_0001>
#map = affine_map<(d0, d1) -> (0, 0)>
#map1 = affine_map<(d0, d1) -> (0)>
#map2 = affine_map<(d0, d1) -> (0, 0, 0)>
module attributes {stable_mosaic.version = 14 : i64} {
  func.func @seg_sum(%arg0: i32, %arg1: i32, %arg2: memref<10000x128xf32, #tpu.memory_space<hbm>>, %arg3: memref<320000xi32, #tpu.memory_space<hbm>>, %arg4: memref<320000xi32, #tpu.memory_space<hbm>>, %arg5: memref<10240x128xf32, #tpu.memory_space<hbm>>, %arg6: memref<2x10240x128xf32, #tpu.memory_space<hbm>>, %arg7: memref<10240x128xf32, #tpu.memory_space<vmem_shared>>, %arg8: memref<10000xi32, #tpu.memory_space<vmem>>, %arg9: memref<80xi32, #tpu.memory_space<vmem>>, %arg10: memref<80xi32, #tpu.memory_space<vmem>>, %arg11: memref<80xi32, #tpu.memory_space<vmem>>, %arg12: memref<80x128xf32, #tpu.memory_space<vmem>>, %arg13: memref<80x128xf32, #tpu.memory_space<vmem>>, %arg14: memref<80x128xf32, #tpu.memory_space<vmem>>, %arg15: memref<!tpu.dma_semaphore, #tpu.memory_space<semaphore_mem>>, %arg16: memref<!tpu.dma_semaphore, #tpu.memory_space<semaphore_mem>>, %arg17: memref<!tpu.dma_semaphore, #tpu.memory_space<semaphore_mem>>, %arg18: memref<!tpu.dma_semaphore, #tpu.memory_space<semaphore_mem>>, %arg19: memref<!tpu.dma_semaphore, #tpu.memory_space<semaphore_mem>>, %arg20: memref<!tpu.dma_semaphore, #tpu.memory_space<semaphore_mem>>, %arg21: memref<!tpu.dma_semaphore, #tpu.memory_space<semaphore_mem>>, %arg22: memref<!tpu.dma_semaphore, #tpu.memory_space<semaphore_mem>>) attributes {dimension_semantics = [#tpu.dimension_semantics<core_parallel>, #tpu.dimension_semantics<subcore_parallel>], iteration_bounds = array<i64: 2, 16>, scalar_prefetch = 0 : i64, scratch_operands = 16 : i64, tpu.core_type = #tpu.core_type<sc_vector_subcore>, window_params = [{transform_indices = #map}, {transform_indices = #map1}, {transform_indices = #map1}, {transform_indices = #map}, {transform_indices = #map2}]} {
    %mul3A = arith.constant 2 : i32
    %mul3A_0 = arith.muli %arg1, %mul3A : i32
    %add3A = arith.addi %mul3A_0, %arg0 : i32
    %mul3A_1 = arith.constant 640 : i32
    %mul3A_2 = arith.muli %arg1, %mul3A_1 : i32
    %mul3A_3 = arith.constant 10000 : i32
    %mul3A_4 = arith.muli %add3A, %mul3A_3 : i32
    %dma_start3A = tpu.memref_slice %arg3[%mul3A_4] : memref<320000xi32, #tpu.memory_space<hbm>> -> memref<10000xi32, #tpu.memory_space<hbm>>
    %dma_start3A_5 = tpu.memref_slice %arg3[%mul3A_4] : memref<320000xi32, #tpu.memory_space<hbm>> -> memref<10000xi32, #tpu.memory_space<hbm>>
    tpu.enqueue_dma source(%dma_start3A_5 : memref<10000xi32, #tpu.memory_space<hbm>>) target(%arg8 : memref<10000xi32, #tpu.memory_space<vmem>>) target_semaphore(%arg21 : memref<!tpu.dma_semaphore, #tpu.memory_space<semaphore_mem>>)
    %dma_start3A_6 = arith.constant 0 : i32
    %dma_start3A_7 = tpu.memref_slice %arg7[%mul3A_2, %dma_start3A_6] : memref<10240x128xf32, #tpu.memory_space<vmem_shared>> -> memref<640x128xf32, #tpu.memory_space<vmem_shared>>
    %dma_start3A_8 = arith.constant 0 : i32
    %dma_start3A_9 = tpu.memref_slice %arg5[%mul3A_2, %dma_start3A_8] : memref<10240x128xf32, #tpu.memory_space<hbm>> -> memref<640x128xf32, #tpu.memory_space<hbm>>
    tpu.enqueue_dma source(%dma_start3A_9 : memref<640x128xf32, #tpu.memory_space<hbm>>) target(%dma_start3A_7 : memref<640x128xf32, #tpu.memory_space<vmem_shared>>) target_semaphore(%arg22 : memref<!tpu.dma_semaphore, #tpu.memory_space<semaphore_mem>>)
    %dma_wait3A = tpu.memref_slice %arg3[%mul3A_4] : memref<320000xi32, #tpu.memory_space<hbm>> -> memref<10000xi32, #tpu.memory_space<hbm>>
    %dma_wait3A_10 = tpu.memref_slice %arg3[%mul3A_4] : memref<320000xi32, #tpu.memory_space<hbm>> -> memref<10000xi32, #tpu.memory_space<hbm>>
    tpu.wait_dma2 semaphore(%arg21 : memref<!tpu.dma_semaphore, #tpu.memory_space<semaphore_mem>>) src(%dma_wait3A_10 : memref<10000xi32, #tpu.memory_space<hbm>>) dst(%arg8 : memref<10000xi32, #tpu.memory_space<vmem>>)
    %dma_start3A_11 = arith.constant 0 : i32
    %dma_start3A_12 = tpu.memref_slice %arg8[%dma_start3A_11] : memref<10000xi32, #tpu.memory_space<vmem>> -> memref<80xi32, #tpu.memory_space<vmem>>
    %dma_start3A_13 = arith.constant 0 : i32
    %dma_start3A_14 = arith.constant 0 : i32
    %dma_start3A_15 = tpu.memref_slice %arg2[%dma_start3A_13, %dma_start3A_14] : memref<10000x128xf32, #tpu.memory_space<hbm>> -> memref<10000x128xf32, #tpu.memory_space<hbm>>
    tpu.enqueue_indirect_dma source(%dma_start3A_15 : memref<10000x128xf32, #tpu.memory_space<hbm>>) target(%arg12 : memref<80x128xf32, #tpu.memory_space<vmem>>) offsets(%dma_start3A_12 : memref<80xi32, #tpu.memory_space<vmem>>) semaphore(%arg15 : memref<!tpu.dma_semaphore, #tpu.memory_space<semaphore_mem>>)
    %add3A_16 = arith.constant 0 : i32
    %add3A_17 = arith.addi %mul3A_4, %add3A_16 : i32
    %dma_start3A_18 = tpu.memref_slice %arg4[%add3A_17] : memref<320000xi32, #tpu.memory_space<hbm>> -> memref<80xi32, #tpu.memory_space<hbm>>
    %dma_start3A_19 = tpu.memref_slice %arg4[%add3A_17] : memref<320000xi32, #tpu.memory_space<hbm>> -> memref<80xi32, #tpu.memory_space<hbm>>
    tpu.enqueue_dma source(%dma_start3A_19 : memref<80xi32, #tpu.memory_space<hbm>>) target(%arg9 : memref<80xi32, #tpu.memory_space<vmem>>) target_semaphore(%arg18 : memref<!tpu.dma_semaphore, #tpu.memory_space<semaphore_mem>>)
    %dma_start3A_20 = arith.constant 80 : i32
    %dma_start3A_21 = tpu.memref_slice %arg8[%dma_start3A_20] : memref<10000xi32, #tpu.memory_space<vmem>> -> memref<80xi32, #tpu.memory_space<vmem>>
    %dma_start3A_22 = arith.constant 0 : i32
    %dma_start3A_23 = arith.constant 0 : i32
    %dma_start3A_24 = tpu.memref_slice %arg2[%dma_start3A_22, %dma_start3A_23] : memref<10000x128xf32, #tpu.memory_space<hbm>> -> memref<10000x128xf32, #tpu.memory_space<hbm>>
    tpu.enqueue_indirect_dma source(%dma_start3A_24 : memref<10000x128xf32, #tpu.memory_space<hbm>>) target(%arg13 : memref<80x128xf32, #tpu.memory_space<vmem>>) offsets(%dma_start3A_21 : memref<80xi32, #tpu.memory_space<vmem>>) semaphore(%arg16 : memref<!tpu.dma_semaphore, #tpu.memory_space<semaphore_mem>>)
    %add3A_25 = arith.constant 80 : i32
    %add3A_26 = arith.addi %mul3A_4, %add3A_25 : i32
    %dma_start3A_27 = tpu.memref_slice %arg4[%add3A_26] : memref<320000xi32, #tpu.memory_space<hbm>> -> memref<80xi32, #tpu.memory_space<hbm>>
    %dma_start3A_28 = tpu.memref_slice %arg4[%add3A_26] : memref<320000xi32, #tpu.memory_space<hbm>> -> memref<80xi32, #tpu.memory_space<hbm>>
    tpu.enqueue_dma source(%dma_start3A_28 : memref<80xi32, #tpu.memory_space<hbm>>) target(%arg10 : memref<80xi32, #tpu.memory_space<vmem>>) target_semaphore(%arg19 : memref<!tpu.dma_semaphore, #tpu.memory_space<semaphore_mem>>)
    %dma_wait3A_29 = arith.constant 0 : i32
    %dma_wait3A_30 = tpu.memref_slice %arg7[%mul3A_2, %dma_wait3A_29] : memref<10240x128xf32, #tpu.memory_space<vmem_shared>> -> memref<640x128xf32, #tpu.memory_space<vmem_shared>>
    %dma_wait3A_31 = arith.constant 0 : i32
    %dma_wait3A_32 = tpu.memref_slice %arg5[%mul3A_2, %dma_wait3A_31] : memref<10240x128xf32, #tpu.memory_space<hbm>> -> memref<640x128xf32, #tpu.memory_space<hbm>>
    tpu.wait_dma2 semaphore(%arg22 : memref<!tpu.dma_semaphore, #tpu.memory_space<semaphore_mem>>) src(%dma_wait3A_32 : memref<640x128xf32, #tpu.memory_space<hbm>>) dst(%dma_wait3A_30 : memref<640x128xf32, #tpu.memory_space<vmem_shared>>)
    %barrier3A = arith.constant 0 : index
    tpu.barrier barrier_id(%barrier3A)
    %scan3A = arith.constant 0 : i32
    %scan3A_33 = arith.constant 0 : i32
    %scan3A_34 = arith.constant 41 : i32
    %scan3A_35 = arith.addi %scan3A_33, %scan3A_34 : i32
    %scan3A_36 = arith.constant 1 : i32
    scf.for %scan3A_57 = %scan3A_33 to %scan3A_35 step %scan3A_36  : i32 {
      %mul3A_58 = arith.constant 3 : i32
      %mul3A_59 = arith.muli %mul3A_58, %scan3A_57 : i32
      %add3A_60 = arith.constant 2 : i32
      %add3A_61 = arith.addi %mul3A_59, %add3A_60 : i32
      %mul3A_62 = arith.constant 80 : i32
      %mul3A_63 = arith.muli %add3A_61, %mul3A_62 : i32
      %dma_start3A_64 = tpu.memref_slice %arg8[%mul3A_63] : memref<10000xi32, #tpu.memory_space<vmem>> -> memref<80xi32, #tpu.memory_space<vmem>>
      %dma_start3A_65 = arith.constant 0 : i32
      %dma_start3A_66 = arith.constant 0 : i32
      %dma_start3A_67 = tpu.memref_slice %arg2[%dma_start3A_65, %dma_start3A_66] : memref<10000x128xf32, #tpu.memory_space<hbm>> -> memref<10000x128xf32, #tpu.memory_space<hbm>>
      tpu.enqueue_indirect_dma source(%dma_start3A_67 : memref<10000x128xf32, #tpu.memory_space<hbm>>) target(%arg14 : memref<80x128xf32, #tpu.memory_space<vmem>>) offsets(%dma_start3A_64 : memref<80xi32, #tpu.memory_space<vmem>>) semaphore(%arg17 : memref<!tpu.dma_semaphore, #tpu.memory_space<semaphore_mem>>)
      %add3A_68 = arith.constant 2 : i32
      %add3A_69 = arith.addi %mul3A_59, %add3A_68 : i32
      %mul3A_70 = arith.constant 80 : i32
      %mul3A_71 = arith.muli %add3A_69, %mul3A_70 : i32
      %add3A_72 = arith.addi %mul3A_4, %mul3A_71 : i32
      %dma_start3A_73 = tpu.memref_slice %arg4[%add3A_72] : memref<320000xi32, #tpu.memory_space<hbm>> -> memref<80xi32, #tpu.memory_space<hbm>>
      %dma_start3A_74 = tpu.memref_slice %arg4[%add3A_72] : memref<320000xi32, #tpu.memory_space<hbm>> -> memref<80xi32, #tpu.memory_space<hbm>>
      tpu.enqueue_dma source(%dma_start3A_74 : memref<80xi32, #tpu.memory_space<hbm>>) target(%arg11 : memref<80xi32, #tpu.memory_space<vmem>>) target_semaphore(%arg20 : memref<!tpu.dma_semaphore, #tpu.memory_space<semaphore_mem>>)
      %mul3A_75 = arith.constant 80 : i32
      %mul3A_76 = arith.muli %mul3A_59, %mul3A_75 : i32
      %dma_wait3A_77 = tpu.memref_slice %arg8[%mul3A_76] : memref<10000xi32, #tpu.memory_space<vmem>> -> memref<80xi32, #tpu.memory_space<vmem>>
      %dma_wait3A_78 = arith.constant 0 : i32
      %dma_wait3A_79 = arith.constant 0 : i32
      %dma_wait3A_80 = tpu.memref_slice %arg2[%dma_wait3A_78, %dma_wait3A_79] : memref<10000x128xf32, #tpu.memory_space<hbm>> -> memref<10000x128xf32, #tpu.memory_space<hbm>>
      tpu.wait_indirect_dma semaphore(%arg15 : memref<!tpu.dma_semaphore, #tpu.memory_space<semaphore_mem>>) src(%dma_wait3A_80 : memref<10000x128xf32, #tpu.memory_space<hbm>>) dst(%arg12 : memref<80x128xf32, #tpu.memory_space<vmem>>)
      %mul3A_81 = arith.constant 80 : i32
      %mul3A_82 = arith.muli %mul3A_59, %mul3A_81 : i32
      %add3A_83 = arith.addi %mul3A_4, %mul3A_82 : i32
      %dma_wait3A_84 = tpu.memref_slice %arg4[%add3A_83] : memref<320000xi32, #tpu.memory_space<hbm>> -> memref<80xi32, #tpu.memory_space<hbm>>
      %dma_wait3A_85 = tpu.memref_slice %arg4[%add3A_83] : memref<320000xi32, #tpu.memory_space<hbm>> -> memref<80xi32, #tpu.memory_space<hbm>>
      tpu.wait_dma2 semaphore(%arg18 : memref<!tpu.dma_semaphore, #tpu.memory_space<semaphore_mem>>) src(%dma_wait3A_85 : memref<80xi32, #tpu.memory_space<hbm>>) dst(%arg9 : memref<80xi32, #tpu.memory_space<vmem>>)
      "tpu.region"() ({
        %run_scoped3A = tpu.sem_alloc : memref<!tpu.dma_semaphore, #tpu.memory_space<semaphore_mem>>
        %dma_start3A_142 = arith.constant 0 : i32
        %dma_start3A_143 = arith.constant 0 : i32
        %dma_start3A_144 = tpu.memref_slice %arg7[%dma_start3A_142, %dma_start3A_143] : memref<10240x128xf32, #tpu.memory_space<vmem_shared>> -> memref<10240x128xf32, #tpu.memory_space<vmem_shared>>
        tpu.enqueue_indirect_dma source(%arg12 : memref<80x128xf32, #tpu.memory_space<vmem>>) target(%dma_start3A_144 : memref<10240x128xf32, #tpu.memory_space<vmem_shared>>) offsets(%arg9 : memref<80xi32, #tpu.memory_space<vmem>>) semaphore(%run_scoped3A : memref<!tpu.dma_semaphore, #tpu.memory_space<semaphore_mem>>) {add = true}
        %dma_wait3A_145 = arith.constant 0 : i32
        %dma_wait3A_146 = arith.constant 0 : i32
        %dma_wait3A_147 = tpu.memref_slice %arg7[%dma_wait3A_145, %dma_wait3A_146] : memref<10240x128xf32, #tpu.memory_space<vmem_shared>> -> memref<10240x128xf32, #tpu.memory_space<vmem_shared>>
        tpu.wait_indirect_dma semaphore(%run_scoped3A : memref<!tpu.dma_semaphore, #tpu.memory_space<semaphore_mem>>) src(%arg12 : memref<80x128xf32, #tpu.memory_space<vmem>>) dst(%dma_wait3A_147 : memref<10240x128xf32, #tpu.memory_space<vmem_shared>>)
        tpu.yield
      }) : () -> ()
      %add3A_86 = arith.constant 1 : i32
      %add3A_87 = arith.addi %mul3A_59, %add3A_86 : i32
      %add3A_88 = arith.constant 2 : i32
      %add3A_89 = arith.addi %add3A_87, %add3A_88 : i32
      %mul3A_90 = arith.constant 80 : i32
      %mul3A_91 = arith.muli %add3A_89, %mul3A_90 : i32
      %dma_start3A_92 = tpu.memref_slice %arg8[%mul3A_91] : memref<10000xi32, #tpu.memory_space<vmem>> -> memref<80xi32, #tpu.memory_space<vmem>>
      %dma_start3A_93 = arith.constant 0 : i32
      %dma_start3A_94 = arith.constant 0 : i32
      %dma_start3A_95 = tpu.memref_slice %arg2[%dma_start3A_93, %dma_start3A_94] : memref<10000x128xf32, #tpu.memory_space<hbm>> -> memref<10000x128xf32, #tpu.memory_space<hbm>>
      tpu.enqueue_indirect_dma source(%dma_start3A_95 : memref<10000x128xf32, #tpu.memory_space<hbm>>) target(%arg12 : memref<80x128xf32, #tpu.memory_space<vmem>>) offsets(%dma_start3A_92 : memref<80xi32, #tpu.memory_space<vmem>>) semaphore(%arg15 : memref<!tpu.dma_semaphore, #tpu.memory_space<semaphore_mem>>)
      %add3A_96 = arith.constant 2 : i32
      %add3A_97 = arith.addi %add3A_87, %add3A_96 : i32
      %mul3A_98 = arith.constant 80 : i32
      %mul3A_99 = arith.muli %add3A_97, %mul3A_98 : i32
      %add3A_100 = arith.addi %mul3A_4, %mul3A_99 : i32
      %dma_start3A_101 = tpu.memref_slice %arg4[%add3A_100] : memref<320000xi32, #tpu.memory_space<hbm>> -> memref<80xi32, #tpu.memory_space<hbm>>
      %dma_start3A_102 = tpu.memref_slice %arg4[%add3A_100] : memref<320000xi32, #tpu.memory_space<hbm>> -> memref<80xi32, #tpu.memory_space<hbm>>
      tpu.enqueue_dma source(%dma_start3A_102 : memref<80xi32, #tpu.memory_space<hbm>>) target(%arg9 : memref<80xi32, #tpu.memory_space<vmem>>) target_semaphore(%arg18 : memref<!tpu.dma_semaphore, #tpu.memory_space<semaphore_mem>>)
      %mul3A_103 = arith.constant 80 : i32
      %mul3A_104 = arith.muli %add3A_87, %mul3A_103 : i32
      %dma_wait3A_105 = tpu.memref_slice %arg8[%mul3A_104] : memref<10000xi32, #tpu.memory_space<vmem>> -> memref<80xi32, #tpu.memory_space<vmem>>
      %dma_wait3A_106 = arith.constant 0 : i32
      %dma_wait3A_107 = arith.constant 0 : i32
      %dma_wait3A_108 = tpu.memref_slice %arg2[%dma_wait3A_106, %dma_wait3A_107] : memref<10000x128xf32, #tpu.memory_space<hbm>> -> memref<10000x128xf32, #tpu.memory_space<hbm>>
      tpu.wait_indirect_dma semaphore(%arg16 : memref<!tpu.dma_semaphore, #tpu.memory_space<semaphore_mem>>) src(%dma_wait3A_108 : memref<10000x128xf32, #tpu.memory_space<hbm>>) dst(%arg13 : memref<80x128xf32, #tpu.memory_space<vmem>>)
      %mul3A_109 = arith.constant 80 : i32
      %mul3A_110 = arith.muli %add3A_87, %mul3A_109 : i32
      %add3A_111 = arith.addi %mul3A_4, %mul3A_110 : i32
      %dma_wait3A_112 = tpu.memref_slice %arg4[%add3A_111] : memref<320000xi32, #tpu.memory_space<hbm>> -> memref<80xi32, #tpu.memory_space<hbm>>
      %dma_wait3A_113 = tpu.memref_slice %arg4[%add3A_111] : memref<320000xi32, #tpu.memory_space<hbm>> -> memref<80xi32, #tpu.memory_space<hbm>>
      tpu.wait_dma2 semaphore(%arg19 : memref<!tpu.dma_semaphore, #tpu.memory_space<semaphore_mem>>) src(%dma_wait3A_113 : memref<80xi32, #tpu.memory_space<hbm>>) dst(%arg10 : memref<80xi32, #tpu.memory_space<vmem>>)
      "tpu.region"() ({
        %run_scoped3A = tpu.sem_alloc : memref<!tpu.dma_semaphore, #tpu.memory_space<semaphore_mem>>
        %dma_start3A_142 = arith.constant 0 : i32
        %dma_start3A_143 = arith.constant 0 : i32
        %dma_start3A_144 = tpu.memref_slice %arg7[%dma_start3A_142, %dma_start3A_143] : memref<10240x128xf32, #tpu.memory_space<vmem_shared>> -> memref<10240x128xf32, #tpu.memory_space<vmem_shared>>
        tpu.enqueue_indirect_dma source(%arg13 : memref<80x128xf32, #tpu.memory_space<vmem>>) target(%dma_start3A_144 : memref<10240x128xf32, #tpu.memory_space<vmem_shared>>) offsets(%arg10 : memref<80xi32, #tpu.memory_space<vmem>>) semaphore(%run_scoped3A : memref<!tpu.dma_semaphore, #tpu.memory_space<semaphore_mem>>) {add = true}
        %dma_wait3A_145 = arith.constant 0 : i32
        %dma_wait3A_146 = arith.constant 0 : i32
        %dma_wait3A_147 = tpu.memref_slice %arg7[%dma_wait3A_145, %dma_wait3A_146] : memref<10240x128xf32, #tpu.memory_space<vmem_shared>> -> memref<10240x128xf32, #tpu.memory_space<vmem_shared>>
        tpu.wait_indirect_dma semaphore(%run_scoped3A : memref<!tpu.dma_semaphore, #tpu.memory_space<semaphore_mem>>) src(%arg13 : memref<80x128xf32, #tpu.memory_space<vmem>>) dst(%dma_wait3A_147 : memref<10240x128xf32, #tpu.memory_space<vmem_shared>>)
        tpu.yield
      }) : () -> ()
      %add3A_114 = arith.constant 2 : i32
      %add3A_115 = arith.addi %mul3A_59, %add3A_114 : i32
      %add3A_116 = arith.constant 2 : i32
      %add3A_117 = arith.addi %add3A_115, %add3A_116 : i32
      %mul3A_118 = arith.constant 80 : i32
      %mul3A_119 = arith.muli %add3A_117, %mul3A_118 : i32
      %dma_start3A_120 = tpu.memref_slice %arg8[%mul3A_119] : memref<10000xi32, #tpu.memory_space<vmem>> -> memref<80xi32, #tpu.memory_space<vmem>>
      %dma_start3A_121 = arith.constant 0 : i32
      %dma_start3A_122 = arith.constant 0 : i32
      %dma_start3A_123 = tpu.memref_slice %arg2[%dma_start3A_121, %dma_start3A_122] : memref<10000x128xf32, #tpu.memory_space<hbm>> -> memref<10000x128xf32, #tpu.memory_space<hbm>>
      tpu.enqueue_indirect_dma source(%dma_start3A_123 : memref<10000x128xf32, #tpu.memory_space<hbm>>) target(%arg13 : memref<80x128xf32, #tpu.memory_space<vmem>>) offsets(%dma_start3A_120 : memref<80xi32, #tpu.memory_space<vmem>>) semaphore(%arg16 : memref<!tpu.dma_semaphore, #tpu.memory_space<semaphore_mem>>)
      %add3A_124 = arith.constant 2 : i32
      %add3A_125 = arith.addi %add3A_115, %add3A_124 : i32
      %mul3A_126 = arith.constant 80 : i32
      %mul3A_127 = arith.muli %add3A_125, %mul3A_126 : i32
      %add3A_128 = arith.addi %mul3A_4, %mul3A_127 : i32
      %dma_start3A_129 = tpu.memref_slice %arg4[%add3A_128] : memref<320000xi32, #tpu.memory_space<hbm>> -> memref<80xi32, #tpu.memory_space<hbm>>
      %dma_start3A_130 = tpu.memref_slice %arg4[%add3A_128] : memref<320000xi32, #tpu.memory_space<hbm>> -> memref<80xi32, #tpu.memory_space<hbm>>
      tpu.enqueue_dma source(%dma_start3A_130 : memref<80xi32, #tpu.memory_space<hbm>>) target(%arg10 : memref<80xi32, #tpu.memory_space<vmem>>) target_semaphore(%arg19 : memref<!tpu.dma_semaphore, #tpu.memory_space<semaphore_mem>>)
      %mul3A_131 = arith.constant 80 : i32
      %mul3A_132 = arith.muli %add3A_115, %mul3A_131 : i32
      %dma_wait3A_133 = tpu.memref_slice %arg8[%mul3A_132] : memref<10000xi32, #tpu.memory_space<vmem>> -> memref<80xi32, #tpu.memory_space<vmem>>
      %dma_wait3A_134 = arith.constant 0 : i32
      %dma_wait3A_135 = arith.constant 0 : i32
      %dma_wait3A_136 = tpu.memref_slice %arg2[%dma_wait3A_134, %dma_wait3A_135] : memref<10000x128xf32, #tpu.memory_space<hbm>> -> memref<10000x128xf32, #tpu.memory_space<hbm>>
      tpu.wait_indirect_dma semaphore(%arg17 : memref<!tpu.dma_semaphore, #tpu.memory_space<semaphore_mem>>) src(%dma_wait3A_136 : memref<10000x128xf32, #tpu.memory_space<hbm>>) dst(%arg14 : memref<80x128xf32, #tpu.memory_space<vmem>>)
      %mul3A_137 = arith.constant 80 : i32
      %mul3A_138 = arith.muli %add3A_115, %mul3A_137 : i32
      %add3A_139 = arith.addi %mul3A_4, %mul3A_138 : i32
      %dma_wait3A_140 = tpu.memref_slice %arg4[%add3A_139] : memref<320000xi32, #tpu.memory_space<hbm>> -> memref<80xi32, #tpu.memory_space<hbm>>
      %dma_wait3A_141 = tpu.memref_slice %arg4[%add3A_139] : memref<320000xi32, #tpu.memory_space<hbm>> -> memref<80xi32, #tpu.memory_space<hbm>>
      tpu.wait_dma2 semaphore(%arg20 : memref<!tpu.dma_semaphore, #tpu.memory_space<semaphore_mem>>) src(%dma_wait3A_141 : memref<80xi32, #tpu.memory_space<hbm>>) dst(%arg11 : memref<80xi32, #tpu.memory_space<vmem>>)
      "tpu.region"() ({
        %run_scoped3A = tpu.sem_alloc : memref<!tpu.dma_semaphore, #tpu.memory_space<semaphore_mem>>
        %dma_start3A_142 = arith.constant 0 : i32
        %dma_start3A_143 = arith.constant 0 : i32
        %dma_start3A_144 = tpu.memref_slice %arg7[%dma_start3A_142, %dma_start3A_143] : memref<10240x128xf32, #tpu.memory_space<vmem_shared>> -> memref<10240x128xf32, #tpu.memory_space<vmem_shared>>
        tpu.enqueue_indirect_dma source(%arg14 : memref<80x128xf32, #tpu.memory_space<vmem>>) target(%dma_start3A_144 : memref<10240x128xf32, #tpu.memory_space<vmem_shared>>) offsets(%arg11 : memref<80xi32, #tpu.memory_space<vmem>>) semaphore(%run_scoped3A : memref<!tpu.dma_semaphore, #tpu.memory_space<semaphore_mem>>) {add = true}
        %dma_wait3A_145 = arith.constant 0 : i32
        %dma_wait3A_146 = arith.constant 0 : i32
        %dma_wait3A_147 = tpu.memref_slice %arg7[%dma_wait3A_145, %dma_wait3A_146] : memref<10240x128xf32, #tpu.memory_space<vmem_shared>> -> memref<10240x128xf32, #tpu.memory_space<vmem_shared>>
        tpu.wait_indirect_dma semaphore(%run_scoped3A : memref<!tpu.dma_semaphore, #tpu.memory_space<semaphore_mem>>) src(%arg14 : memref<80x128xf32, #tpu.memory_space<vmem>>) dst(%dma_wait3A_147 : memref<10240x128xf32, #tpu.memory_space<vmem_shared>>)
        tpu.yield
      }) : () -> ()
    }
    %scan3A_37 = arith.constant 41 : i32
    %dma_wait3A_38 = arith.constant 9840 : i32
    %dma_wait3A_39 = tpu.memref_slice %arg8[%dma_wait3A_38] : memref<10000xi32, #tpu.memory_space<vmem>> -> memref<80xi32, #tpu.memory_space<vmem>>
    %dma_wait3A_40 = arith.constant 0 : i32
    %dma_wait3A_41 = arith.constant 0 : i32
    %dma_wait3A_42 = tpu.memref_slice %arg2[%dma_wait3A_40, %dma_wait3A_41] : memref<10000x128xf32, #tpu.memory_space<hbm>> -> memref<10000x128xf32, #tpu.memory_space<hbm>>
    tpu.wait_indirect_dma semaphore(%arg15 : memref<!tpu.dma_semaphore, #tpu.memory_space<semaphore_mem>>) src(%dma_wait3A_42 : memref<10000x128xf32, #tpu.memory_space<hbm>>) dst(%arg12 : memref<80x128xf32, #tpu.memory_space<vmem>>)
    %add3A_43 = arith.constant 9840 : i32
    %add3A_44 = arith.addi %mul3A_4, %add3A_43 : i32
    %dma_wait3A_45 = tpu.memref_slice %arg4[%add3A_44] : memref<320000xi32, #tpu.memory_space<hbm>> -> memref<80xi32, #tpu.memory_space<hbm>>
    %dma_wait3A_46 = tpu.memref_slice %arg4[%add3A_44] : memref<320000xi32, #tpu.memory_space<hbm>> -> memref<80xi32, #tpu.memory_space<hbm>>
    tpu.wait_dma2 semaphore(%arg18 : memref<!tpu.dma_semaphore, #tpu.memory_space<semaphore_mem>>) src(%dma_wait3A_46 : memref<80xi32, #tpu.memory_space<hbm>>) dst(%arg9 : memref<80xi32, #tpu.memory_space<vmem>>)
    "tpu.region"() ({
      %run_scoped3A = tpu.sem_alloc : memref<!tpu.dma_semaphore, #tpu.memory_space<semaphore_mem>>
      %dma_start3A_57 = arith.constant 0 : i32
      %dma_start3A_58 = arith.constant 0 : i32
      %dma_start3A_59 = tpu.memref_slice %arg7[%dma_start3A_57, %dma_start3A_58] : memref<10240x128xf32, #tpu.memory_space<vmem_shared>> -> memref<10240x128xf32, #tpu.memory_space<vmem_shared>>
      tpu.enqueue_indirect_dma source(%arg12 : memref<80x128xf32, #tpu.memory_space<vmem>>) target(%dma_start3A_59 : memref<10240x128xf32, #tpu.memory_space<vmem_shared>>) offsets(%arg9 : memref<80xi32, #tpu.memory_space<vmem>>) semaphore(%run_scoped3A : memref<!tpu.dma_semaphore, #tpu.memory_space<semaphore_mem>>) {add = true}
      %dma_wait3A_60 = arith.constant 0 : i32
      %dma_wait3A_61 = arith.constant 0 : i32
      %dma_wait3A_62 = tpu.memref_slice %arg7[%dma_wait3A_60, %dma_wait3A_61] : memref<10240x128xf32, #tpu.memory_space<vmem_shared>> -> memref<10240x128xf32, #tpu.memory_space<vmem_shared>>
      tpu.wait_indirect_dma semaphore(%run_scoped3A : memref<!tpu.dma_semaphore, #tpu.memory_space<semaphore_mem>>) src(%arg12 : memref<80x128xf32, #tpu.memory_space<vmem>>) dst(%dma_wait3A_62 : memref<10240x128xf32, #tpu.memory_space<vmem_shared>>)
      tpu.yield
    }) : () -> ()
    %dma_wait3A_47 = arith.constant 9920 : i32
    %dma_wait3A_48 = tpu.memref_slice %arg8[%dma_wait3A_47] : memref<10000xi32, #tpu.memory_space<vmem>> -> memref<80xi32, #tpu.memory_space<vmem>>
    %dma_wait3A_49 = arith.constant 0 : i32
    %dma_wait3A_50 = arith.constant 0 : i32
    %dma_wait3A_51 = tpu.memref_slice %arg2[%dma_wait3A_49, %dma_wait3A_50] : memref<10000x128xf32, #tpu.memory_space<hbm>> -> memref<10000x128xf32, #tpu.memory_space<hbm>>
    tpu.wait_indirect_dma semaphore(%arg16 : memref<!tpu.dma_semaphore, #tpu.memory_space<semaphore_mem>>) src(%dma_wait3A_51 : memref<10000x128xf32, #tpu.memory_space<hbm>>) dst(%arg13 : memref<80x128xf32, #tpu.memory_space<vmem>>)
    %add3A_52 = arith.constant 9920 : i32
    %add3A_53 = arith.addi %mul3A_4, %add3A_52 : i32
    %dma_wait3A_54 = tpu.memref_slice %arg4[%add3A_53] : memref<320000xi32, #tpu.memory_space<hbm>> -> memref<80xi32, #tpu.memory_space<hbm>>
    %dma_wait3A_55 = tpu.memref_slice %arg4[%add3A_53] : memref<320000xi32, #tpu.memory_space<hbm>> -> memref<80xi32, #tpu.memory_space<hbm>>
    tpu.wait_dma2 semaphore(%arg19 : memref<!tpu.dma_semaphore, #tpu.memory_space<semaphore_mem>>) src(%dma_wait3A_55 : memref<80xi32, #tpu.memory_space<hbm>>) dst(%arg10 : memref<80xi32, #tpu.memory_space<vmem>>)
    "tpu.region"() ({
      %run_scoped3A = tpu.sem_alloc : memref<!tpu.dma_semaphore, #tpu.memory_space<semaphore_mem>>
      %dma_start3A_57 = arith.constant 0 : i32
      %dma_start3A_58 = arith.constant 0 : i32
      %dma_start3A_59 = tpu.memref_slice %arg7[%dma_start3A_57, %dma_start3A_58] : memref<10240x128xf32, #tpu.memory_space<vmem_shared>> -> memref<10240x128xf32, #tpu.memory_space<vmem_shared>>
      tpu.enqueue_indirect_dma source(%arg13 : memref<80x128xf32, #tpu.memory_space<vmem>>) target(%dma_start3A_59 : memref<10240x128xf32, #tpu.memory_space<vmem_shared>>) offsets(%arg10 : memref<80xi32, #tpu.memory_space<vmem>>) semaphore(%run_scoped3A : memref<!tpu.dma_semaphore, #tpu.memory_space<semaphore_mem>>) {add = true}
      %dma_wait3A_60 = arith.constant 0 : i32
      %dma_wait3A_61 = arith.constant 0 : i32
      %dma_wait3A_62 = tpu.memref_slice %arg7[%dma_wait3A_60, %dma_wait3A_61] : memref<10240x128xf32, #tpu.memory_space<vmem_shared>> -> memref<10240x128xf32, #tpu.memory_space<vmem_shared>>
      tpu.wait_indirect_dma semaphore(%run_scoped3A : memref<!tpu.dma_semaphore, #tpu.memory_space<semaphore_mem>>) src(%arg13 : memref<80x128xf32, #tpu.memory_space<vmem>>) dst(%dma_wait3A_62 : memref<10240x128xf32, #tpu.memory_space<vmem_shared>>)
      tpu.yield
    }) : () -> ()
    %barrier3A_56 = arith.constant 0 : index
    tpu.barrier barrier_id(%barrier3A_56)
    "tpu.region"() ({
      %run_scoped3A = tpu.sem_alloc : memref<!tpu.dma_semaphore, #tpu.memory_space<semaphore_mem>>
      %dma_start3A_57 = arith.constant 0 : i32
      %dma_start3A_58 = tpu.memref_slice %arg6[%arg0, %mul3A_2, %dma_start3A_57] : memref<2x10240x128xf32, #tpu.memory_space<hbm>> -> memref<1x640x128xf32, #tpu.memory_space<hbm>>
      %dma_start3A_59 = tpu.memref_squeeze %dma_start3A_58 : memref<1x640x128xf32, #tpu.memory_space<hbm>> -> memref<640x128xf32, #tpu.memory_space<hbm>>
      %dma_start3A_60 = arith.constant 0 : i32
      %dma_start3A_61 = tpu.memref_slice %arg7[%mul3A_2, %dma_start3A_60] : memref<10240x128xf32, #tpu.memory_space<vmem_shared>> -> memref<640x128xf32, #tpu.memory_space<vmem_shared>>
      tpu.enqueue_dma source(%dma_start3A_61 : memref<640x128xf32, #tpu.memory_space<vmem_shared>>) target(%dma_start3A_59 : memref<640x128xf32, #tpu.memory_space<hbm>>) target_semaphore(%run_scoped3A : memref<!tpu.dma_semaphore, #tpu.memory_space<semaphore_mem>>)
      %dma_wait3A_62 = arith.constant 0 : i32
      %dma_wait3A_63 = tpu.memref_slice %arg6[%arg0, %mul3A_2, %dma_wait3A_62] : memref<2x10240x128xf32, #tpu.memory_space<hbm>> -> memref<1x640x128xf32, #tpu.memory_space<hbm>>
      %dma_wait3A_64 = tpu.memref_squeeze %dma_wait3A_63 : memref<1x640x128xf32, #tpu.memory_space<hbm>> -> memref<640x128xf32, #tpu.memory_space<hbm>>
      %dma_wait3A_65 = arith.constant 0 : i32
      %dma_wait3A_66 = tpu.memref_slice %arg7[%mul3A_2, %dma_wait3A_65] : memref<10240x128xf32, #tpu.memory_space<vmem_shared>> -> memref<640x128xf32, #tpu.memory_space<vmem_shared>>
      tpu.wait_dma2 semaphore(%run_scoped3A : memref<!tpu.dma_semaphore, #tpu.memory_space<semaphore_mem>>) src(%dma_wait3A_66 : memref<640x128xf32, #tpu.memory_space<vmem_shared>>) dst(%dma_wait3A_64 : memref<640x128xf32, #tpu.memory_space<hbm>>)
      tpu.yield
    }) : () -> ()
    return
  }
}

#map = affine_map<(d0, d1) -> (0, 0)>
#map1 = affine_map<(d0, d1) -> (0)>
#map2 = affine_map<(d0, d1) -> (0, 0, 0)>
module attributes {stable_mosaic.version = 14 : i64} {
  func.func @seg_sum(%arg0: i32, %arg1: i32, %arg2: memref<10000x128xf32, #tpu.memory_space<hbm>>, %arg3: memref<320000xi32, #tpu.memory_space<hbm>>, %arg4: memref<320000xi32, #tpu.memory_space<hbm>>, %arg5: memref<10240x128xf32, #tpu.memory_space<hbm>>, %arg6: memref<2x10240x128xf32, #tpu.memory_space<hbm>>, %arg7: memref<10240x128xf32, #tpu.memory_space<vmem_shared>>, %arg8: memref<10000xi32, #tpu.memory_space<vmem>>, %arg9: memref<80xi32, #tpu.memory_space<vmem>>, %arg10: memref<80xi32, #tpu.memory_space<vmem>>, %arg11: memref<80xi32, #tpu.memory_space<vmem>>, %arg12: memref<80x128xf32, #tpu.memory_space<vmem>>, %arg13: memref<80x128xf32, #tpu.memory_space<vmem>>, %arg14: memref<80x128xf32, #tpu.memory_space<vmem>>, %arg15: memref<!tpu.dma_semaphore, #tpu.memory_space<semaphore_mem>>, %arg16: memref<!tpu.dma_semaphore, #tpu.memory_space<semaphore_mem>>, %arg17: memref<!tpu.dma_semaphore, #tpu.memory_space<semaphore_mem>>, %arg18: memref<!tpu.dma_semaphore, #tpu.memory_space<semaphore_mem>>, %arg19: memref<!tpu.dma_semaphore, #tpu.memory_space<semaphore_mem>>, %arg20: memref<!tpu.dma_semaphore, #tpu.memory_space<semaphore_mem>>, %arg21: memref<!tpu.dma_semaphore, #tpu.memory_space<semaphore_mem>>, %arg22: memref<!tpu.dma_semaphore, #tpu.memory_space<semaphore_mem>>) attributes {dimension_semantics = [#tpu.dimension_semantics<core_parallel>, #tpu.dimension_semantics<subcore_parallel>], iteration_bounds = array<i64: 2, 16>, scalar_prefetch = 0 : i64, scratch_operands = 16 : i64, tpu.core_type = #tpu.core_type<sc_vector_subcore>, window_params = [{transform_indices = #map}, {transform_indices = #map1}, {transform_indices = #map1}, {transform_indices = #map}, {transform_indices = #map2}]} {
    %mul3A = arith.constant 2 : i32
    %mul3A_0 = arith.muli %arg1, %mul3A : i32
    %add3A = arith.addi %mul3A_0, %arg0 : i32
    %mul3A_1 = arith.constant 640 : i32
    %mul3A_2 = arith.muli %arg1, %mul3A_1 : i32
    %mul3A_3 = arith.constant 10000 : i32
    %mul3A_4 = arith.muli %add3A, %mul3A_3 : i32
    %dma_start3A = tpu.memref_slice %arg3[%mul3A_4] : memref<320000xi32, #tpu.memory_space<hbm>> -> memref<10000xi32, #tpu.memory_space<hbm>>
    %dma_start3A_5 = tpu.memref_slice %arg3[%mul3A_4] : memref<320000xi32, #tpu.memory_space<hbm>> -> memref<10000xi32, #tpu.memory_space<hbm>>
    tpu.enqueue_dma source(%dma_start3A_5 : memref<10000xi32, #tpu.memory_space<hbm>>) target(%arg8 : memref<10000xi32, #tpu.memory_space<vmem>>) target_semaphore(%arg21 : memref<!tpu.dma_semaphore, #tpu.memory_space<semaphore_mem>>)
    %dma_start3A_6 = arith.constant 0 : i32
    %dma_start3A_7 = tpu.memref_slice %arg7[%mul3A_2, %dma_start3A_6] : memref<10240x128xf32, #tpu.memory_space<vmem_shared>> -> memref<640x128xf32, #tpu.memory_space<vmem_shared>>
    %dma_start3A_8 = arith.constant 0 : i32
    %dma_start3A_9 = tpu.memref_slice %arg5[%mul3A_2, %dma_start3A_8] : memref<10240x128xf32, #tpu.memory_space<hbm>> -> memref<640x128xf32, #tpu.memory_space<hbm>>
    tpu.enqueue_dma source(%dma_start3A_9 : memref<640x128xf32, #tpu.memory_space<hbm>>) target(%dma_start3A_7 : memref<640x128xf32, #tpu.memory_space<vmem_shared>>) target_semaphore(%arg22 : memref<!tpu.dma_semaphore, #tpu.memory_space<semaphore_mem>>)
    %dma_wait3A = tpu.memref_slice %arg3[%mul3A_4] : memref<320000xi32, #tpu.memory_space<hbm>> -> memref<10000xi32, #tpu.memory_space<hbm>>
    %dma_wait3A_10 = tpu.memref_slice %arg3[%mul3A_4] : memref<320000xi32, #tpu.memory_space<hbm>> -> memref<10000xi32, #tpu.memory_space<hbm>>
    tpu.wait_dma2 semaphore(%arg21 : memref<!tpu.dma_semaphore, #tpu.memory_space<semaphore_mem>>) src(%dma_wait3A_10 : memref<10000xi32, #tpu.memory_space<hbm>>) dst(%arg8 : memref<10000xi32, #tpu.memory_space<vmem>>)
    %dma_start3A_11 = arith.constant 0 : i32
    %dma_start3A_12 = tpu.memref_slice %arg8[%dma_start3A_11] : memref<10000xi32, #tpu.memory_space<vmem>> -> memref<80xi32, #tpu.memory_space<vmem>>
    %dma_start3A_13 = arith.constant 0 : i32
    %dma_start3A_14 = arith.constant 0 : i32
    %dma_start3A_15 = tpu.memref_slice %arg2[%dma_start3A_13, %dma_start3A_14] : memref<10000x128xf32, #tpu.memory_space<hbm>> -> memref<10000x128xf32, #tpu.memory_space<hbm>>
    tpu.enqueue_indirect_dma source(%dma_start3A_15 : memref<10000x128xf32, #tpu.memory_space<hbm>>) target(%arg12 : memref<80x128xf32, #tpu.memory_space<vmem>>) offsets(%dma_start3A_12 : memref<80xi32, #tpu.memory_space<vmem>>) semaphore(%arg15 : memref<!tpu.dma_semaphore, #tpu.memory_space<semaphore_mem>>)
    %add3A_16 = arith.constant 0 : i32
    %add3A_17 = arith.addi %mul3A_4, %add3A_16 : i32
    %dma_start3A_18 = tpu.memref_slice %arg4[%add3A_17] : memref<320000xi32, #tpu.memory_space<hbm>> -> memref<80xi32, #tpu.memory_space<hbm>>
    %dma_start3A_19 = tpu.memref_slice %arg4[%add3A_17] : memref<320000xi32, #tpu.memory_space<hbm>> -> memref<80xi32, #tpu.memory_space<hbm>>
    tpu.enqueue_dma source(%dma_start3A_19 : memref<80xi32, #tpu.memory_space<hbm>>) target(%arg9 : memref<80xi32, #tpu.memory_space<vmem>>) target_semaphore(%arg18 : memref<!tpu.dma_semaphore, #tpu.memory_space<semaphore_mem>>)
    %dma_start3A_20 = arith.constant 80 : i32
    %dma_start3A_21 = tpu.memref_slice %arg8[%dma_start3A_20] : memref<10000xi32, #tpu.memory_space<vmem>> -> memref<80xi32, #tpu.memory_space<vmem>>
    %dma_start3A_22 = arith.constant 0 : i32
    %dma_start3A_23 = arith.constant 0 : i32
    %dma_start3A_24 = tpu.memref_slice %arg2[%dma_start3A_22, %dma_start3A_23] : memref<10000x128xf32, #tpu.memory_space<hbm>> -> memref<10000x128xf32, #tpu.memory_space<hbm>>
    tpu.enqueue_indirect_dma source(%dma_start3A_24 : memref<10000x128xf32, #tpu.memory_space<hbm>>) target(%arg13 : memref<80x128xf32, #tpu.memory_space<vmem>>) offsets(%dma_start3A_21 : memref<80xi32, #tpu.memory_space<vmem>>) semaphore(%arg16 : memref<!tpu.dma_semaphore, #tpu.memory_space<semaphore_mem>>)
    %add3A_25 = arith.constant 80 : i32
    %add3A_26 = arith.addi %mul3A_4, %add3A_25 : i32
    %dma_start3A_27 = tpu.memref_slice %arg4[%add3A_26] : memref<320000xi32, #tpu.memory_space<hbm>> -> memref<80xi32, #tpu.memory_space<hbm>>
    %dma_start3A_28 = tpu.memref_slice %arg4[%add3A_26] : memref<320000xi32, #tpu.memory_space<hbm>> -> memref<80xi32, #tpu.memory_space<hbm>>
    tpu.enqueue_dma source(%dma_start3A_28 : memref<80xi32, #tpu.memory_space<hbm>>) target(%arg10 : memref<80xi32, #tpu.memory_space<vmem>>) target_semaphore(%arg19 : memref<!tpu.dma_semaphore, #tpu.memory_space<semaphore_mem>>)
    %dma_wait3A_29 = arith.constant 0 : i32
    %dma_wait3A_30 = tpu.memref_slice %arg7[%mul3A_2, %dma_wait3A_29] : memref<10240x128xf32, #tpu.memory_space<vmem_shared>> -> memref<640x128xf32, #tpu.memory_space<vmem_shared>>
    %dma_wait3A_31 = arith.constant 0 : i32
    %dma_wait3A_32 = tpu.memref_slice %arg5[%mul3A_2, %dma_wait3A_31] : memref<10240x128xf32, #tpu.memory_space<hbm>> -> memref<640x128xf32, #tpu.memory_space<hbm>>
    tpu.wait_dma2 semaphore(%arg22 : memref<!tpu.dma_semaphore, #tpu.memory_space<semaphore_mem>>) src(%dma_wait3A_32 : memref<640x128xf32, #tpu.memory_space<hbm>>) dst(%dma_wait3A_30 : memref<640x128xf32, #tpu.memory_space<vmem_shared>>)
    %barrier3A = arith.constant 0 : index
    tpu.barrier barrier_id(%barrier3A)
    %scan3A = arith.constant 0 : i32
    %scan3A_33 = arith.constant 0 : i32
    %scan3A_34 = arith.constant 41 : i32
    %scan3A_35 = arith.addi %scan3A_33, %scan3A_34 : i32
    %scan3A_36 = arith.constant 1 : i32
    scf.for %scan3A_57 = %scan3A_33 to %scan3A_35 step %scan3A_36  : i32 {
      %mul3A_58 = arith.constant 3 : i32
      %mul3A_59 = arith.muli %mul3A_58, %scan3A_57 : i32
      %add3A_60 = arith.constant 2 : i32
      %add3A_61 = arith.addi %mul3A_59, %add3A_60 : i32
      %mul3A_62 = arith.constant 80 : i32
      %mul3A_63 = arith.muli %add3A_61, %mul3A_62 : i32
      %dma_start3A_64 = tpu.memref_slice %arg8[%mul3A_63] : memref<10000xi32, #tpu.memory_space<vmem>> -> memref<80xi32, #tpu.memory_space<vmem>>
      %dma_start3A_65 = arith.constant 0 : i32
      %dma_start3A_66 = arith.constant 0 : i32
      %dma_start3A_67 = tpu.memref_slice %arg2[%dma_start3A_65, %dma_start3A_66] : memref<10000x128xf32, #tpu.memory_space<hbm>> -> memref<10000x128xf32, #tpu.memory_space<hbm>>
      tpu.enqueue_indirect_dma source(%dma_start3A_67 : memref<10000x128xf32, #tpu.memory_space<hbm>>) target(%arg14 : memref<80x128xf32, #tpu.memory_space<vmem>>) offsets(%dma_start3A_64 : memref<80xi32, #tpu.memory_space<vmem>>) semaphore(%arg17 : memref<!tpu.dma_semaphore, #tpu.memory_space<semaphore_mem>>)
      %add3A_68 = arith.constant 2 : i32
      %add3A_69 = arith.addi %mul3A_59, %add3A_68 : i32
      %mul3A_70 = arith.constant 80 : i32
      %mul3A_71 = arith.muli %add3A_69, %mul3A_70 : i32
      %add3A_72 = arith.addi %mul3A_4, %mul3A_71 : i32
      %dma_start3A_73 = tpu.memref_slice %arg4[%add3A_72] : memref<320000xi32, #tpu.memory_space<hbm>> -> memref<80xi32, #tpu.memory_space<hbm>>
      %dma_start3A_74 = tpu.memref_slice %arg4[%add3A_72] : memref<320000xi32, #tpu.memory_space<hbm>> -> memref<80xi32, #tpu.memory_space<hbm>>
      tpu.enqueue_dma source(%dma_start3A_74 : memref<80xi32, #tpu.memory_space<hbm>>) target(%arg11 : memref<80xi32, #tpu.memory_space<vmem>>) target_semaphore(%arg20 : memref<!tpu.dma_semaphore, #tpu.memory_space<semaphore_mem>>)
      %mul3A_75 = arith.constant 80 : i32
      %mul3A_76 = arith.muli %mul3A_59, %mul3A_75 : i32
      %dma_wait3A_77 = tpu.memref_slice %arg8[%mul3A_76] : memref<10000xi32, #tpu.memory_space<vmem>> -> memref<80xi32, #tpu.memory_space<vmem>>
      %dma_wait3A_78 = arith.constant 0 : i32
      %dma_wait3A_79 = arith.constant 0 : i32
      %dma_wait3A_80 = tpu.memref_slice %arg2[%dma_wait3A_78, %dma_wait3A_79] : memref<10000x128xf32, #tpu.memory_space<hbm>> -> memref<10000x128xf32, #tpu.memory_space<hbm>>
      tpu.wait_indirect_dma semaphore(%arg15 : memref<!tpu.dma_semaphore, #tpu.memory_space<semaphore_mem>>) src(%dma_wait3A_80 : memref<10000x128xf32, #tpu.memory_space<hbm>>) dst(%arg12 : memref<80x128xf32, #tpu.memory_space<vmem>>)
      %mul3A_81 = arith.constant 80 : i32
      %mul3A_82 = arith.muli %mul3A_59, %mul3A_81 : i32
      %add3A_83 = arith.addi %mul3A_4, %mul3A_82 : i32
      %dma_wait3A_84 = tpu.memref_slice %arg4[%add3A_83] : memref<320000xi32, #tpu.memory_space<hbm>> -> memref<80xi32, #tpu.memory_space<hbm>>
      %dma_wait3A_85 = tpu.memref_slice %arg4[%add3A_83] : memref<320000xi32, #tpu.memory_space<hbm>> -> memref<80xi32, #tpu.memory_space<hbm>>
      tpu.wait_dma2 semaphore(%arg18 : memref<!tpu.dma_semaphore, #tpu.memory_space<semaphore_mem>>) src(%dma_wait3A_85 : memref<80xi32, #tpu.memory_space<hbm>>) dst(%arg9 : memref<80xi32, #tpu.memory_space<vmem>>)
      "tpu.region"() ({
        %run_scoped3A = tpu.sem_alloc : memref<!tpu.dma_semaphore, #tpu.memory_space<semaphore_mem>>
        %dma_start3A_142 = arith.constant 0 : i32
        %dma_start3A_143 = arith.constant 0 : i32
        %dma_start3A_144 = tpu.memref_slice %arg7[%dma_start3A_142, %dma_start3A_143] : memref<10240x128xf32, #tpu.memory_space<vmem_shared>> -> memref<10240x128xf32, #tpu.memory_space<vmem_shared>>
        tpu.enqueue_indirect_dma source(%arg12 : memref<80x128xf32, #tpu.memory_space<vmem>>) target(%dma_start3A_144 : memref<10240x128xf32, #tpu.memory_space<vmem_shared>>) offsets(%arg9 : memref<80xi32, #tpu.memory_space<vmem>>) semaphore(%run_scoped3A : memref<!tpu.dma_semaphore, #tpu.memory_space<semaphore_mem>>) {add = true}
        %dma_wait3A_145 = arith.constant 0 : i32
        %dma_wait3A_146 = arith.constant 0 : i32
        %dma_wait3A_147 = tpu.memref_slice %arg7[%dma_wait3A_145, %dma_wait3A_146] : memref<10240x128xf32, #tpu.memory_space<vmem_shared>> -> memref<10240x128xf32, #tpu.memory_space<vmem_shared>>
        tpu.wait_indirect_dma semaphore(%run_scoped3A : memref<!tpu.dma_semaphore, #tpu.memory_space<semaphore_mem>>) src(%arg12 : memref<80x128xf32, #tpu.memory_space<vmem>>) dst(%dma_wait3A_147 : memref<10240x128xf32, #tpu.memory_space<vmem_shared>>)
        tpu.yield
      }) : () -> ()
      %add3A_86 = arith.constant 1 : i32
      %add3A_87 = arith.addi %mul3A_59, %add3A_86 : i32
      %add3A_88 = arith.constant 2 : i32
      %add3A_89 = arith.addi %add3A_87, %add3A_88 : i32
      %mul3A_90 = arith.constant 80 : i32
      %mul3A_91 = arith.muli %add3A_89, %mul3A_90 : i32
      %dma_start3A_92 = tpu.memref_slice %arg8[%mul3A_91] : memref<10000xi32, #tpu.memory_space<vmem>> -> memref<80xi32, #tpu.memory_space<vmem>>
      %dma_start3A_93 = arith.constant 0 : i32
      %dma_start3A_94 = arith.constant 0 : i32
      %dma_start3A_95 = tpu.memref_slice %arg2[%dma_start3A_93, %dma_start3A_94] : memref<10000x128xf32, #tpu.memory_space<hbm>> -> memref<10000x128xf32, #tpu.memory_space<hbm>>
      tpu.enqueue_indirect_dma source(%dma_start3A_95 : memref<10000x128xf32, #tpu.memory_space<hbm>>) target(%arg12 : memref<80x128xf32, #tpu.memory_space<vmem>>) offsets(%dma_start3A_92 : memref<80xi32, #tpu.memory_space<vmem>>) semaphore(%arg15 : memref<!tpu.dma_semaphore, #tpu.memory_space<semaphore_mem>>)
      %add3A_96 = arith.constant 2 : i32
      %add3A_97 = arith.addi %add3A_87, %add3A_96 : i32
      %mul3A_98 = arith.constant 80 : i32
      %mul3A_99 = arith.muli %add3A_97, %mul3A_98 : i32
      %add3A_100 = arith.addi %mul3A_4, %mul3A_99 : i32
      %dma_start3A_101 = tpu.memref_slice %arg4[%add3A_100] : memref<320000xi32, #tpu.memory_space<hbm>> -> memref<80xi32, #tpu.memory_space<hbm>>
      %dma_start3A_102 = tpu.memref_slice %arg4[%add3A_100] : memref<320000xi32, #tpu.memory_space<hbm>> -> memref<80xi32, #tpu.memory_space<hbm>>
      tpu.enqueue_dma source(%dma_start3A_102 : memref<80xi32, #tpu.memory_space<hbm>>) target(%arg9 : memref<80xi32, #tpu.memory_space<vmem>>) target_semaphore(%arg18 : memref<!tpu.dma_semaphore, #tpu.memory_space<semaphore_mem>>)
      %mul3A_103 = arith.constant 80 : i32
      %mul3A_104 = arith.muli %add3A_87, %mul3A_103 : i32
      %dma_wait3A_105 = tpu.memref_slice %arg8[%mul3A_104] : memref<10000xi32, #tpu.memory_space<vmem>> -> memref<80xi32, #tpu.memory_space<vmem>>
      %dma_wait3A_106 = arith.constant 0 : i32
      %dma_wait3A_107 = arith.constant 0 : i32
      %dma_wait3A_108 = tpu.memref_slice %arg2[%dma_wait3A_106, %dma_wait3A_107] : memref<10000x128xf32, #tpu.memory_space<hbm>> -> memref<10000x128xf32, #tpu.memory_space<hbm>>
      tpu.wait_indirect_dma semaphore(%arg16 : memref<!tpu.dma_semaphore, #tpu.memory_space<semaphore_mem>>) src(%dma_wait3A_108 : memref<10000x128xf32, #tpu.memory_space<hbm>>) dst(%arg13 : memref<80x128xf32, #tpu.memory_space<vmem>>)
      %mul3A_109 = arith.constant 80 : i32
      %mul3A_110 = arith.muli %add3A_87, %mul3A_109 : i32
      %add3A_111 = arith.addi %mul3A_4, %mul3A_110 : i32
      %dma_wait3A_112 = tpu.memref_slice %arg4[%add3A_111] : memref<320000xi32, #tpu.memory_space<hbm>> -> memref<80xi32, #tpu.memory_space<hbm>>
      %dma_wait3A_113 = tpu.memref_slice %arg4[%add3A_111] : memref<320000xi32, #tpu.memory_space<hbm>> -> memref<80xi32, #tpu.memory_space<hbm>>
      tpu.wait_dma2 semaphore(%arg19 : memref<!tpu.dma_semaphore, #tpu.memory_space<semaphore_mem>>) src(%dma_wait3A_113 : memref<80xi32, #tpu.memory_space<hbm>>) dst(%arg10 : memref<80xi32, #tpu.memory_space<vmem>>)
      "tpu.region"() ({
        %run_scoped3A = tpu.sem_alloc : memref<!tpu.dma_semaphore, #tpu.memory_space<semaphore_mem>>
        %dma_start3A_142 = arith.constant 0 : i32
        %dma_start3A_143 = arith.constant 0 : i32
        %dma_start3A_144 = tpu.memref_slice %arg7[%dma_start3A_142, %dma_start3A_143] : memref<10240x128xf32, #tpu.memory_space<vmem_shared>> -> memref<10240x128xf32, #tpu.memory_space<vmem_shared>>
        tpu.enqueue_indirect_dma source(%arg13 : memref<80x128xf32, #tpu.memory_space<vmem>>) target(%dma_start3A_144 : memref<10240x128xf32, #tpu.memory_space<vmem_shared>>) offsets(%arg10 : memref<80xi32, #tpu.memory_space<vmem>>) semaphore(%run_scoped3A : memref<!tpu.dma_semaphore, #tpu.memory_space<semaphore_mem>>) {add = true}
        %dma_wait3A_145 = arith.constant 0 : i32
        %dma_wait3A_146 = arith.constant 0 : i32
        %dma_wait3A_147 = tpu.memref_slice %arg7[%dma_wait3A_145, %dma_wait3A_146] : memref<10240x128xf32, #tpu.memory_space<vmem_shared>> -> memref<10240x128xf32, #tpu.memory_space<vmem_shared>>
        tpu.wait_indirect_dma semaphore(%run_scoped3A : memref<!tpu.dma_semaphore, #tpu.memory_space<semaphore_mem>>) src(%arg13 : memref<80x128xf32, #tpu.memory_space<vmem>>) dst(%dma_wait3A_147 : memref<10240x128xf32, #tpu.memory_space<vmem_shared>>)
        tpu.yield
      }) : () -> ()
      %add3A_114 = arith.constant 2 : i32
      %add3A_115 = arith.addi %mul3A_59, %add3A_114 : i32
      %add3A_116 = arith.constant 2 : i32
      %add3A_117 = arith.addi %add3A_115, %add3A_116 : i32
      %mul3A_118 = arith.constant 80 : i32
      %mul3A_119 = arith.muli %add3A_117, %mul3A_118 : i32
      %dma_start3A_120 = tpu.memref_slice %arg8[%mul3A_119] : memref<10000xi32, #tpu.memory_space<vmem>> -> memref<80xi32, #tpu.memory_space<vmem>>
      %dma_start3A_121 = arith.constant 0 : i32
      %dma_start3A_122 = arith.constant 0 : i32
      %dma_start3A_123 = tpu.memref_slice %arg2[%dma_start3A_121, %dma_start3A_122] : memref<10000x128xf32, #tpu.memory_space<hbm>> -> memref<10000x128xf32, #tpu.memory_space<hbm>>
      tpu.enqueue_indirect_dma source(%dma_start3A_123 : memref<10000x128xf32, #tpu.memory_space<hbm>>) target(%arg13 : memref<80x128xf32, #tpu.memory_space<vmem>>) offsets(%dma_start3A_120 : memref<80xi32, #tpu.memory_space<vmem>>) semaphore(%arg16 : memref<!tpu.dma_semaphore, #tpu.memory_space<semaphore_mem>>)
      %add3A_124 = arith.constant 2 : i32
      %add3A_125 = arith.addi %add3A_115, %add3A_124 : i32
      %mul3A_126 = arith.constant 80 : i32
      %mul3A_127 = arith.muli %add3A_125, %mul3A_126 : i32
      %add3A_128 = arith.addi %mul3A_4, %mul3A_127 : i32
      %dma_start3A_129 = tpu.memref_slice %arg4[%add3A_128] : memref<320000xi32, #tpu.memory_space<hbm>> -> memref<80xi32, #tpu.memory_space<hbm>>
      %dma_start3A_130 = tpu.memref_slice %arg4[%add3A_128] : memref<320000xi32, #tpu.memory_space<hbm>> -> memref<80xi32, #tpu.memory_space<hbm>>
      tpu.enqueue_dma source(%dma_start3A_130 : memref<80xi32, #tpu.memory_space<hbm>>) target(%arg10 : memref<80xi32, #tpu.memory_space<vmem>>) target_semaphore(%arg19 : memref<!tpu.dma_semaphore, #tpu.memory_space<semaphore_mem>>)
      %mul3A_131 = arith.constant 80 : i32
      %mul3A_132 = arith.muli %add3A_115, %mul3A_131 : i32
      %dma_wait3A_133 = tpu.memref_slice %arg8[%mul3A_132] : memref<10000xi32, #tpu.memory_space<vmem>> -> memref<80xi32, #tpu.memory_space<vmem>>
      %dma_wait3A_134 = arith.constant 0 : i32
      %dma_wait3A_135 = arith.constant 0 : i32
      %dma_wait3A_136 = tpu.memref_slice %arg2[%dma_wait3A_134, %dma_wait3A_135] : memref<10000x128xf32, #tpu.memory_space<hbm>> -> memref<10000x128xf32, #tpu.memory_space<hbm>>
      tpu.wait_indirect_dma semaphore(%arg17 : memref<!tpu.dma_semaphore, #tpu.memory_space<semaphore_mem>>) src(%dma_wait3A_136 : memref<10000x128xf32, #tpu.memory_space<hbm>>) dst(%arg14 : memref<80x128xf32, #tpu.memory_space<vmem>>)
      %mul3A_137 = arith.constant 80 : i32
      %mul3A_138 = arith.muli %add3A_115, %mul3A_137 : i32
      %add3A_139 = arith.addi %mul3A_4, %mul3A_138 : i32
      %dma_wait3A_140 = tpu.memref_slice %arg4[%add3A_139] : memref<320000xi32, #tpu.memory_space<hbm>> -> memref<80xi32, #tpu.memory_space<hbm>>
      %dma_wait3A_141 = tpu.memref_slice %arg4[%add3A_139] : memref<320000xi32, #tpu.memory_space<hbm>> -> memref<80xi32, #tpu.memory_space<hbm>>
      tpu.wait_dma2 semaphore(%arg20 : memref<!tpu.dma_semaphore, #tpu.memory_space<semaphore_mem>>) src(%dma_wait3A_141 : memref<80xi32, #tpu.memory_space<hbm>>) dst(%arg11 : memref<80xi32, #tpu.memory_space<vmem>>)
      "tpu.region"() ({
        %run_scoped3A = tpu.sem_alloc : memref<!tpu.dma_semaphore, #tpu.memory_space<semaphore_mem>>
        %dma_start3A_142 = arith.constant 0 : i32
        %dma_start3A_143 = arith.constant 0 : i32
        %dma_start3A_144 = tpu.memref_slice %arg7[%dma_start3A_142, %dma_start3A_143] : memref<10240x128xf32, #tpu.memory_space<vmem_shared>> -> memref<10240x128xf32, #tpu.memory_space<vmem_shared>>
        tpu.enqueue_indirect_dma source(%arg14 : memref<80x128xf32, #tpu.memory_space<vmem>>) target(%dma_start3A_144 : memref<10240x128xf32, #tpu.memory_space<vmem_shared>>) offsets(%arg11 : memref<80xi32, #tpu.memory_space<vmem>>) semaphore(%run_scoped3A : memref<!tpu.dma_semaphore, #tpu.memory_space<semaphore_mem>>) {add = true}
        %dma_wait3A_145 = arith.constant 0 : i32
        %dma_wait3A_146 = arith.constant 0 : i32
        %dma_wait3A_147 = tpu.memref_slice %arg7[%dma_wait3A_145, %dma_wait3A_146] : memref<10240x128xf32, #tpu.memory_space<vmem_shared>> -> memref<10240x128xf32, #tpu.memory_space<vmem_shared>>
        tpu.wait_indirect_dma semaphore(%run_scoped3A : memref<!tpu.dma_semaphore, #tpu.memory_space<semaphore_mem>>) src(%arg14 : memref<80x128xf32, #tpu.memory_space<vmem>>) dst(%dma_wait3A_147 : memref<10240x128xf32, #tpu.memory_space<vmem_shared>>)
        tpu.yield
      }) : () -> ()
    }
    %scan3A_37 = arith.constant 41 : i32
    %dma_wait3A_38 = arith.constant 9840 : i32
    %dma_wait3A_39 = tpu.memref_slice %arg8[%dma_wait3A_38] : memref<10000xi32, #tpu.memory_space<vmem>> -> memref<80xi32, #tpu.memory_space<vmem>>
    %dma_wait3A_40 = arith.constant 0 : i32
    %dma_wait3A_41 = arith.constant 0 : i32
    %dma_wait3A_42 = tpu.memref_slice %arg2[%dma_wait3A_40, %dma_wait3A_41] : memref<10000x128xf32, #tpu.memory_space<hbm>> -> memref<10000x128xf32, #tpu.memory_space<hbm>>
    tpu.wait_indirect_dma semaphore(%arg15 : memref<!tpu.dma_semaphore, #tpu.memory_space<semaphore_mem>>) src(%dma_wait3A_42 : memref<10000x128xf32, #tpu.memory_space<hbm>>) dst(%arg12 : memref<80x128xf32, #tpu.memory_space<vmem>>)
    %add3A_43 = arith.constant 9840 : i32
    %add3A_44 = arith.addi %mul3A_4, %add3A_43 : i32
    %dma_wait3A_45 = tpu.memref_slice %arg4[%add3A_44] : memref<320000xi32, #tpu.memory_space<hbm>> -> memref<80xi32, #tpu.memory_space<hbm>>
    %dma_wait3A_46 = tpu.memref_slice %arg4[%add3A_44] : memref<320000xi32, #tpu.memory_space<hbm>> -> memref<80xi32, #tpu.memory_space<hbm>>
    tpu.wait_dma2 semaphore(%arg18 : memref<!tpu.dma_semaphore, #tpu.memory_space<semaphore_mem>>) src(%dma_wait3A_46 : memref<80xi32, #tpu.memory_space<hbm>>) dst(%arg9 : memref<80xi32, #tpu.memory_space<vmem>>)
    "tpu.region"() ({
      %run_scoped3A = tpu.sem_alloc : memref<!tpu.dma_semaphore, #tpu.memory_space<semaphore_mem>>
      %dma_start3A_57 = arith.constant 0 : i32
      %dma_start3A_58 = arith.constant 0 : i32
      %dma_start3A_59 = tpu.memref_slice %arg7[%dma_start3A_57, %dma_start3A_58] : memref<10240x128xf32, #tpu.memory_space<vmem_shared>> -> memref<10240x128xf32, #tpu.memory_space<vmem_shared>>
      tpu.enqueue_indirect_dma source(%arg12 : memref<80x128xf32, #tpu.memory_space<vmem>>) target(%dma_start3A_59 : memref<10240x128xf32, #tpu.memory_space<vmem_shared>>) offsets(%arg9 : memref<80xi32, #tpu.memory_space<vmem>>) semaphore(%run_scoped3A : memref<!tpu.dma_semaphore, #tpu.memory_space<semaphore_mem>>) {add = true}
      %dma_wait3A_60 = arith.constant 0 : i32
      %dma_wait3A_61 = arith.constant 0 : i32
      %dma_wait3A_62 = tpu.memref_slice %arg7[%dma_wait3A_60, %dma_wait3A_61] : memref<10240x128xf32, #tpu.memory_space<vmem_shared>> -> memref<10240x128xf32, #tpu.memory_space<vmem_shared>>
      tpu.wait_indirect_dma semaphore(%run_scoped3A : memref<!tpu.dma_semaphore, #tpu.memory_space<semaphore_mem>>) src(%arg12 : memref<80x128xf32, #tpu.memory_space<vmem>>) dst(%dma_wait3A_62 : memref<10240x128xf32, #tpu.memory_space<vmem_shared>>)
      tpu.yield
    }) : () -> ()
    %dma_wait3A_47 = arith.constant 9920 : i32
    %dma_wait3A_48 = tpu.memref_slice %arg8[%dma_wait3A_47] : memref<10000xi32, #tpu.memory_space<vmem>> -> memref<80xi32, #tpu.memory_space<vmem>>
    %dma_wait3A_49 = arith.constant 0 : i32
    %dma_wait3A_50 = arith.constant 0 : i32
    %dma_wait3A_51 = tpu.memref_slice %arg2[%dma_wait3A_49, %dma_wait3A_50] : memref<10000x128xf32, #tpu.memory_space<hbm>> -> memref<10000x128xf32, #tpu.memory_space<hbm>>
    tpu.wait_indirect_dma semaphore(%arg16 : memref<!tpu.dma_semaphore, #tpu.memory_space<semaphore_mem>>) src(%dma_wait3A_51 : memref<10000x128xf32, #tpu.memory_space<hbm>>) dst(%arg13 : memref<80x128xf32, #tpu.memory_space<vmem>>)
    %add3A_52 = arith.constant 9920 : i32
    %add3A_53 = arith.addi %mul3A_4, %add3A_52 : i32
    %dma_wait3A_54 = tpu.memref_slice %arg4[%add3A_53] : memref<320000xi32, #tpu.memory_space<hbm>> -> memref<80xi32, #tpu.memory_space<hbm>>
    %dma_wait3A_55 = tpu.memref_slice %arg4[%add3A_53] : memref<320000xi32, #tpu.memory_space<hbm>> -> memref<80xi32, #tpu.memory_space<hbm>>
    tpu.wait_dma2 semaphore(%arg19 : memref<!tpu.dma_semaphore, #tpu.memory_space<semaphore_mem>>) src(%dma_wait3A_55 : memref<80xi32, #tpu.memory_space<hbm>>) dst(%arg10 : memref<80xi32, #tpu.memory_space<vmem>>)
    "tpu.region"() ({
      %run_scoped3A = tpu.sem_alloc : memref<!tpu.dma_semaphore, #tpu.memory_space<semaphore_mem>>
      %dma_start3A_57 = arith.constant 0 : i32
      %dma_start3A_58 = arith.constant 0 : i32
      %dma_start3A_59 = tpu.memref_slice %arg7[%dma_start3A_57, %dma_start3A_58] : memref<10240x128xf32, #tpu.memory_space<vmem_shared>> -> memref<10240x128xf32, #tpu.memory_space<vmem_shared>>
      tpu.enqueue_indirect_dma source(%arg13 : memref<80x128xf32, #tpu.memory_space<vmem>>) target(%dma_start3A_59 : memref<10240x128xf32, #tpu.memory_space<vmem_shared>>) offsets(%arg10 : memref<80xi32, #tpu.memory_space<vmem>>) semaphore(%run_scoped3A : memref<!tpu.dma_semaphore, #tpu.memory_space<semaphore_mem>>) {add = true}
      %dma_wait3A_60 = arith.constant 0 : i32
      %dma_wait3A_61 = arith.constant 0 : i32
      %dma_wait3A_62 = tpu.memref_slice %arg7[%dma_wait3A_60, %dma_wait3A_61] : memref<10240x128xf32, #tpu.memory_space<vmem_shared>> -> memref<10240x128xf32, #tpu.memory_space<vmem_shared>>
      tpu.wait_indirect_dma semaphore(%run_scoped3A : memref<!tpu.dma_semaphore, #tpu.memory_space<semaphore_mem>>) src(%arg13 : memref<80x128xf32, #tpu.memory_space<vmem>>) dst(%dma_wait3A_62 : memref<10240x128xf32, #tpu.memory_space<vmem_shared>>)
      tpu.yield
    }) : () -> ()
    %barrier3A_56 = arith.constant 0 : index
    tpu.barrier barrier_id(%barrier3A_56)
    "tpu.region"() ({
      %run_scoped3A = tpu.sem_alloc : memref<!tpu.dma_semaphore, #tpu.memory_space<semaphore_mem>>
      %dma_start3A_57 = arith.constant 0 : i32
      %dma_start3A_58 = tpu.memref_slice %arg6[%arg0, %mul3A_2, %dma_start3A_57] : memref<2x10240x128xf32, #tpu.memory_space<hbm>> -> memref<1x640x128xf32, #tpu.memory_space<hbm>>
      %dma_start3A_59 = tpu.memref_squeeze %dma_start3A_58 : memref<1x640x128xf32, #tpu.memory_space<hbm>> -> memref<640x128xf32, #tpu.memory_space<hbm>>
      %dma_start3A_60 = arith.constant 0 : i32
      %dma_start3A_61 = tpu.memref_slice %arg7[%mul3A_2, %dma_start3A_60] : memref<10240x128xf32, #tpu.memory_space<vmem_shared>> -> memref<640x128xf32, #tpu.memory_space<vmem_shared>>
      tpu.enqueue_dma source(%dma_start3A_61 : memref<640x128xf32, #tpu.memory_space<vmem_shared>>) target(%dma_start3A_59 : memref<640x128xf32, #tpu.memory_space<hbm>>) target_semaphore(%run_scoped3A : memref<!tpu.dma_semaphore, #tpu.memory_space<semaphore_mem>>)
      %dma_wait3A_62 = arith.constant 0 : i32
      %dma_wait3A_63 = tpu.memref_slice %arg6[%arg0, %mul3A_2, %dma_wait3A_62] : memref<2x10240x128xf32, #tpu.memory_space<hbm>> -> memref<1x640x128xf32, #tpu.memory_space<hbm>>
      %dma_wait3A_64 = tpu.memref_squeeze %dma_wait3A_63 : memref<1x640x128xf32, #tpu.memory_space<hbm>> -> memref<640x128xf32, #tpu.memory_space<hbm>>
      %dma_wait3A_65 = arith.constant 0 : i32
      %dma_wait3A_66 = tpu.memref_slice %arg7[%mul3A_2, %dma_wait3A_65] : memref<10240x128xf32, #tpu.memory_space<vmem_shared>> -> memref<640x128xf32, #tpu.memory_space<vmem_shared>>
      tpu.wait_dma2 semaphore(%run_scoped3A : memref<!tpu.dma_semaphore, #tpu.memory_space<semaphore_mem>>) src(%dma_wait3A_66 : memref<640x128xf32, #tpu.memory_space<vmem_shared>>) dst(%dma_wait3A_64 : memref<640x128xf32, #tpu.memory_space<hbm>>)
      tpu.yield
    }) : () -> ()
    return
  }
}

module attributes {stable_mosaic.version = 14 : i64} {
  func.func @body(%arg0: i32, %arg1: memref<1x1000x128xf32, #tpu.memory_space<vmem>>, %arg2: memref<1x1000x128xf32, #tpu.memory_space<vmem>>, %arg3: memref<1000x128xf32, #tpu.memory_space<vmem>>, %arg4: memref<128x128xf32, #tpu.memory_space<vmem>>, %arg5: memref<128x128xf32, #tpu.memory_space<vmem>>, %arg6: memref<1x128xf32, #tpu.memory_space<vmem>>, %arg7: memref<1000x128xf32, #tpu.memory_space<vmem>>) attributes {dimension_semantics = [#tpu.dimension_semantics<arbitrary>], iteration_bounds = array<i64: 10>, scalar_prefetch = 0 : i64, scratch_operands = 0 : i64, tpu.core_type = #tpu.core_type<tc>, window_params = [{transform_indices = @transform_0, window_bounds = array<i64: 1, 1000, 128>}, {transform_indices = @transform_1, window_bounds = array<i64: 1, 1000, 128>}, {transform_indices = @transform_2, window_bounds = array<i64: 1000, 128>}, {pipeline_mode = #tpu.pipeline_mode<synchronous>, transform_indices = @transform_3, window_bounds = array<i64: 128, 128>}, {pipeline_mode = #tpu.pipeline_mode<synchronous>, transform_indices = @transform_4, window_bounds = array<i64: 128, 128>}, {pipeline_mode = #tpu.pipeline_mode<synchronous>, transform_indices = @transform_5, window_bounds = array<i64: 1, 128>}, {transform_indices = @transform_6, window_bounds = array<i64: 1000, 128>}]} {
    %get3A = arith.constant 0 : index
    %get3A_0 = arith.constant 0 : index
    %get3A_1 = arith.constant 0 : index
    %get3A_2 = vector.load %arg1[%get3A, %get3A_0, %get3A_1] : memref<1x1000x128xf32, #tpu.memory_space<vmem>>, vector<1x1000x128xf32>
    %get3A_3 = vector.shape_cast %get3A_2 : vector<1x1000x128xf32> to vector<1000x128xf32>
    %get3A_4 = arith.constant 0 : index
    %get3A_5 = arith.constant 0 : index
    %get3A_6 = arith.constant 0 : index
    %get3A_7 = vector.load %arg2[%get3A_4, %get3A_5, %get3A_6] : memref<1x1000x128xf32, #tpu.memory_space<vmem>>, vector<1x1000x128xf32>
    %get3A_8 = vector.shape_cast %get3A_7 : vector<1x1000x128xf32> to vector<1000x128xf32>
    %add3A = arith.addf %get3A_3, %get3A_8 : vector<1000x128xf32>
    %get3A_9 = arith.constant 0 : index
    %get3A_10 = arith.constant 0 : index
    %get3A_11 = vector.load %arg4[%get3A_9, %get3A_10] : memref<128x128xf32, #tpu.memory_space<vmem>>, vector<128x128xf32>
    %dot_general3A = arith.constant dense<0.000000e+00> : vector<1000x128xf32>
    %dot_general3A_12 = tpu.matmul %add3A, %get3A_11, %dot_general3A {dimension_numbers = #tpu.dot_dimension_numbers<[1], [0], [0], [1], [0, 0, 1, 1], [], []>, transpose_lhs_hint = false} : vector<1000x128xf32>, vector<128x128xf32>, vector<1000x128xf32> -> vector<1000x128xf32>
    %get3A_13 = arith.constant 0 : index
    %get3A_14 = arith.constant 0 : index
    %get3A_15 = vector.load %arg3[%get3A_13, %get3A_14] : memref<1000x128xf32, #tpu.memory_space<vmem>>, vector<1000x128xf32>
    %get3A_16 = arith.constant 0 : index
    %get3A_17 = arith.constant 0 : index
    %get3A_18 = vector.load %arg5[%get3A_16, %get3A_17] : memref<128x128xf32, #tpu.memory_space<vmem>>, vector<128x128xf32>
    %dot_general3A_19 = arith.constant dense<0.000000e+00> : vector<1000x128xf32>
    %dot_general3A_20 = tpu.matmul %get3A_15, %get3A_18, %dot_general3A_19 {dimension_numbers = #tpu.dot_dimension_numbers<[1], [0], [0], [1], [0, 0, 1, 1], [], []>, transpose_lhs_hint = false} : vector<1000x128xf32>, vector<128x128xf32>, vector<1000x128xf32> -> vector<1000x128xf32>
    %add3A_21 = arith.addf %dot_general3A_12, %dot_general3A_20 : vector<1000x128xf32>
    %get3A_22 = arith.constant 0 : index
    %get3A_23 = arith.constant 0 : index
    %get3A_24 = vector.load %arg6[%get3A_22, %get3A_23] : memref<1x128xf32, #tpu.memory_space<vmem>>, vector<1x128xf32>
    %add3A_25 = vector.broadcast %get3A_24 : vector<1x128xf32> to vector<1000x128xf32>
    %add3A_26 = arith.addf %add3A_21, %add3A_25 : vector<1000x128xf32>
    %max3A = arith.constant 0.000000e+00 : f32
    %max3A_27 = vector.broadcast %max3A : f32 to vector<1000x128xf32>
    %max3A_28 = arith.maximumf %add3A_26, %max3A_27 : vector<1000x128xf32>
    %swap3A = arith.constant 0 : index
    %swap3A_29 = arith.constant 0 : index
    %swap3A_30 = vector.load %arg7[%swap3A, %swap3A_29] : memref<1000x128xf32, #tpu.memory_space<vmem>>, vector<1000x128xf32>
    tpu.vector_store %arg7[%swap3A, %swap3A_29], %max3A_28 {strides = array<i32>} : memref<1000x128xf32, #tpu.memory_space<vmem>>, vector<1000x128xf32>,
    return
  }
  func.func @transform_0(%arg0: i32) -> (i32, i32, i32) {
    %c0_i32 = arith.constant 0 : i32
    %c0_i32_0 = arith.constant 0 : i32
    %c0_i32_1 = arith.constant 0 : i32
    return %c0_i32, %arg0, %c0_i32_0 : i32, i32, i32
  }
  func.func @transform_1(%arg0: i32) -> (i32, i32, i32) {
    %c1_i32 = arith.constant 1 : i32
    %c0_i32 = arith.constant 0 : i32
    %c0_i32_0 = arith.constant 0 : i32
    return %c1_i32, %arg0, %c0_i32 : i32, i32, i32
  }
  func.func @transform_2(%arg0: i32) -> (i32, i32) {
    %c0_i32 = arith.constant 0 : i32
    %c0_i32_0 = arith.constant 0 : i32
    return %arg0, %c0_i32 : i32, i32
  }
  func.func @transform_3(%arg0: i32) -> (i32, i32) {
    %c0_i32 = arith.constant 0 : i32
    %c0_i32_0 = arith.constant 0 : i32
    %c0_i32_1 = arith.constant 0 : i32
    return %c0_i32, %c0_i32_0 : i32, i32
  }
  func.func @transform_4(%arg0: i32) -> (i32, i32) {
    %c0_i32 = arith.constant 0 : i32
    %c0_i32_0 = arith.constant 0 : i32
    %c0_i32_1 = arith.constant 0 : i32
    return %c0_i32, %c0_i32_0 : i32, i32
  }
  func.func @transform_5(%arg0: i32) -> (i32, i32) {
    %c0_i32 = arith.constant 0 : i32
    %c0_i32_0 = arith.constant 0 : i32
    %c0_i32_1 = arith.constant 0 : i32
    return %c0_i32, %c0_i32_0 : i32, i32
  }
  func.func @transform_6(%arg0: i32) -> (i32, i32) {
    %c0_i32 = arith.constant 0 : i32
    %c0_i32_0 = arith.constant 0 : i32
    return %arg0, %c0_i32 : i32, i32
  }
}

module attributes {stable_mosaic.version = 14 : i64} {
  func.func @body(%arg0: i32, %arg1: memref<1x1000x128xf32, #tpu.memory_space<vmem>>, %arg2: memref<1x1000x128xf32, #tpu.memory_space<vmem>>, %arg3: memref<1000x128xf32, #tpu.memory_space<vmem>>, %arg4: memref<128x128xf32, #tpu.memory_space<vmem>>, %arg5: memref<128x128xf32, #tpu.memory_space<vmem>>, %arg6: memref<1x128xf32, #tpu.memory_space<vmem>>, %arg7: memref<128x128xf32, #tpu.memory_space<vmem>>, %arg8: memref<1x128xf32, #tpu.memory_space<vmem>>, %arg9: memref<128x128xf32, #tpu.memory_space<vmem>>, %arg10: memref<1x128xf32, #tpu.memory_space<vmem>>, %arg11: memref<1000x128xf32, #tpu.memory_space<vmem>>, %arg12: memref<1000x4xf32, #tpu.memory_space<vmem>>) attributes {dimension_semantics = [#tpu.dimension_semantics<arbitrary>], iteration_bounds = array<i64: 10>, scalar_prefetch = 0 : i64, scratch_operands = 0 : i64, tpu.core_type = #tpu.core_type<tc>, window_params = [{transform_indices = @transform_0, window_bounds = array<i64: 1, 1000, 128>}, {transform_indices = @transform_1, window_bounds = array<i64: 1, 1000, 128>}, {transform_indices = @transform_2, window_bounds = array<i64: 1000, 128>}, {pipeline_mode = #tpu.pipeline_mode<synchronous>, transform_indices = @transform_3, window_bounds = array<i64: 128, 128>}, {pipeline_mode = #tpu.pipeline_mode<synchronous>, transform_indices = @transform_4, window_bounds = array<i64: 128, 128>}, {pipeline_mode = #tpu.pipeline_mode<synchronous>, transform_indices = @transform_5, window_bounds = array<i64: 1, 128>}, {pipeline_mode = #tpu.pipeline_mode<synchronous>, transform_indices = @transform_6, window_bounds = array<i64: 128, 128>}, {pipeline_mode = #tpu.pipeline_mode<synchronous>, transform_indices = @transform_7, window_bounds = array<i64: 1, 128>}, {pipeline_mode = #tpu.pipeline_mode<synchronous>, transform_indices = @transform_8, window_bounds = array<i64: 128, 128>}, {pipeline_mode = #tpu.pipeline_mode<synchronous>, transform_indices = @transform_9, window_bounds = array<i64: 1, 128>}, {transform_indices = @transform_10, window_bounds = array<i64: 1000, 128>}, {transform_indices = @transform_11, window_bounds = array<i64: 1000, 4>}]} {
    %get3A = arith.constant 0 : index
    %get3A_0 = arith.constant 0 : index
    %get3A_1 = arith.constant 0 : index
    %get3A_2 = vector.load %arg1[%get3A, %get3A_0, %get3A_1] : memref<1x1000x128xf32, #tpu.memory_space<vmem>>, vector<1x1000x128xf32>
    %get3A_3 = vector.shape_cast %get3A_2 : vector<1x1000x128xf32> to vector<1000x128xf32>
    %get3A_4 = arith.constant 0 : index
    %get3A_5 = arith.constant 0 : index
    %get3A_6 = arith.constant 0 : index
    %get3A_7 = vector.load %arg2[%get3A_4, %get3A_5, %get3A_6] : memref<1x1000x128xf32, #tpu.memory_space<vmem>>, vector<1x1000x128xf32>
    %get3A_8 = vector.shape_cast %get3A_7 : vector<1x1000x128xf32> to vector<1000x128xf32>
    %add3A = arith.addf %get3A_3, %get3A_8 : vector<1000x128xf32>
    %get3A_9 = arith.constant 0 : index
    %get3A_10 = arith.constant 0 : index
    %get3A_11 = vector.load %arg4[%get3A_9, %get3A_10] : memref<128x128xf32, #tpu.memory_space<vmem>>, vector<128x128xf32>
    %dot_general3A = arith.constant dense<0.000000e+00> : vector<1000x128xf32>
    %dot_general3A_12 = tpu.matmul %add3A, %get3A_11, %dot_general3A {dimension_numbers = #tpu.dot_dimension_numbers<[1], [0], [0], [1], [0, 0, 1, 1], [], []>, transpose_lhs_hint = false} : vector<1000x128xf32>, vector<128x128xf32>, vector<1000x128xf32> -> vector<1000x128xf32>
    %get3A_13 = arith.constant 0 : index
    %get3A_14 = arith.constant 0 : index
    %get3A_15 = vector.load %arg3[%get3A_13, %get3A_14] : memref<1000x128xf32, #tpu.memory_space<vmem>>, vector<1000x128xf32>
    %get3A_16 = arith.constant 0 : index
    %get3A_17 = arith.constant 0 : index
    %get3A_18 = vector.load %arg5[%get3A_16, %get3A_17] : memref<128x128xf32, #tpu.memory_space<vmem>>, vector<128x128xf32>
    %dot_general3A_19 = arith.constant dense<0.000000e+00> : vector<1000x128xf32>
    %dot_general3A_20 = tpu.matmul %get3A_15, %get3A_18, %dot_general3A_19 {dimension_numbers = #tpu.dot_dimension_numbers<[1], [0], [0], [1], [0, 0, 1, 1], [], []>, transpose_lhs_hint = false} : vector<1000x128xf32>, vector<128x128xf32>, vector<1000x128xf32> -> vector<1000x128xf32>
    %add3A_21 = arith.addf %dot_general3A_12, %dot_general3A_20 : vector<1000x128xf32>
    %get3A_22 = arith.constant 0 : index
    %get3A_23 = arith.constant 0 : index
    %get3A_24 = vector.load %arg6[%get3A_22, %get3A_23] : memref<1x128xf32, #tpu.memory_space<vmem>>, vector<1x128xf32>
    %add3A_25 = vector.broadcast %get3A_24 : vector<1x128xf32> to vector<1000x128xf32>
    %add3A_26 = arith.addf %add3A_21, %add3A_25 : vector<1000x128xf32>
    %swap3A = arith.constant 0 : index
    %swap3A_27 = arith.constant 0 : index
    %swap3A_28 = vector.load %arg11[%swap3A, %swap3A_27] : memref<1000x128xf32, #tpu.memory_space<vmem>>, vector<1000x128xf32>
    tpu.vector_store %arg11[%swap3A, %swap3A_27], %add3A_26 {strides = array<i32>} : memref<1000x128xf32, #tpu.memory_space<vmem>>, vector<1000x128xf32>,
    %get3A_29 = arith.constant 0 : index
    %get3A_30 = arith.constant 0 : index
    %get3A_31 = vector.load %arg7[%get3A_29, %get3A_30] : memref<128x128xf32, #tpu.memory_space<vmem>>, vector<128x128xf32>
    %dot_general3A_32 = arith.constant dense<0.000000e+00> : vector<1000x128xf32>
    %dot_general3A_33 = tpu.matmul %add3A_26, %get3A_31, %dot_general3A_32 {dimension_numbers = #tpu.dot_dimension_numbers<[1], [0], [0], [1], [0, 0, 1, 1], [], []>, transpose_lhs_hint = false} : vector<1000x128xf32>, vector<128x128xf32>, vector<1000x128xf32> -> vector<1000x128xf32>
    %get3A_34 = arith.constant 0 : index
    %get3A_35 = arith.constant 0 : index
    %get3A_36 = vector.load %arg8[%get3A_34, %get3A_35] : memref<1x128xf32, #tpu.memory_space<vmem>>, vector<1x128xf32>
    %add3A_37 = vector.broadcast %get3A_36 : vector<1x128xf32> to vector<1000x128xf32>
    %add3A_38 = arith.addf %dot_general3A_33, %add3A_37 : vector<1000x128xf32>
    %max3A = arith.constant 0.000000e+00 : f32
    %max3A_39 = vector.broadcast %max3A : f32 to vector<1000x128xf32>
    %max3A_40 = arith.maximumf %add3A_38, %max3A_39 : vector<1000x128xf32>
    %get3A_41 = arith.constant 0 : index
    %get3A_42 = arith.constant 0 : index
    %get3A_43 = vector.load %arg9[%get3A_41, %get3A_42] : memref<128x128xf32, #tpu.memory_space<vmem>>, vector<128x128xf32>
    %dot_general3A_44 = arith.constant dense<0.000000e+00> : vector<1000x128xf32>
    %dot_general3A_45 = tpu.matmul %max3A_40, %get3A_43, %dot_general3A_44 {dimension_numbers = #tpu.dot_dimension_numbers<[1], [0], [0], [1], [0, 0, 1, 1], [], []>, transpose_lhs_hint = false} : vector<1000x128xf32>, vector<128x128xf32>, vector<1000x128xf32> -> vector<1000x128xf32>
    %get3A_46 = arith.constant 0 : index
    %get3A_47 = arith.constant 0 : index
    %get3A_48 = vector.load %arg10[%get3A_46, %get3A_47] : memref<1x128xf32, #tpu.memory_space<vmem>>, vector<1x128xf32>
    %add3A_49 = vector.broadcast %get3A_48 : vector<1x128xf32> to vector<1000x128xf32>
    %add3A_50 = arith.addf %dot_general3A_45, %add3A_49 : vector<1000x128xf32>
    %slice3A = vector.extract_strided_slice %add3A_50 {offsets = [0, 0], sizes = [1000, 4], strides = [1, 1]} : vector<1000x128xf32> to vector<1000x4xf32>
    %swap3A_51 = arith.constant 0 : index
    %swap3A_52 = arith.constant 0 : index
    %swap3A_53 = vector.load %arg12[%swap3A_51, %swap3A_52] : memref<1000x4xf32, #tpu.memory_space<vmem>>, vector<1000x4xf32>
    tpu.vector_store %arg12[%swap3A_51, %swap3A_52], %slice3A {strides = array<i32>} : memref<1000x4xf32, #tpu.memory_space<vmem>>, vector<1000x4xf32>,
    return
  }
  func.func @transform_0(%arg0: i32) -> (i32, i32, i32) {
    %c0_i32 = arith.constant 0 : i32
    %c0_i32_0 = arith.constant 0 : i32
    %c0_i32_1 = arith.constant 0 : i32
    return %c0_i32, %arg0, %c0_i32_0 : i32, i32, i32
  }
  func.func @transform_1(%arg0: i32) -> (i32, i32, i32) {
    %c1_i32 = arith.constant 1 : i32
    %c0_i32 = arith.constant 0 : i32
    %c0_i32_0 = arith.constant 0 : i32
    return %c1_i32, %arg0, %c0_i32 : i32, i32, i32
  }
  func.func @transform_2(%arg0: i32) -> (i32, i32) {
    %c0_i32 = arith.constant 0 : i32
    %c0_i32_0 = arith.constant 0 : i32
    return %arg0, %c0_i32 : i32, i32
  }
  func.func @transform_3(%arg0: i32) -> (i32, i32) {
    %c0_i32 = arith.constant 0 : i32
    %c0_i32_0 = arith.constant 0 : i32
    %c0_i32_1 = arith.constant 0 : i32
    return %c0_i32, %c0_i32_0 : i32, i32
  }
  func.func @transform_4(%arg0: i32) -> (i32, i32) {
    %c0_i32 = arith.constant 0 : i32
    %c0_i32_0 = arith.constant 0 : i32
    %c0_i32_1 = arith.constant 0 : i32
    return %c0_i32, %c0_i32_0 : i32, i32
  }
  func.func @transform_5(%arg0: i32) -> (i32, i32) {
    %c0_i32 = arith.constant 0 : i32
    %c0_i32_0 = arith.constant 0 : i32
    %c0_i32_1 = arith.constant 0 : i32
    return %c0_i32, %c0_i32_0 : i32, i32
  }
  func.func @transform_6(%arg0: i32) -> (i32, i32) {
    %c0_i32 = arith.constant 0 : i32
    %c0_i32_0 = arith.constant 0 : i32
    %c0_i32_1 = arith.constant 0 : i32
    return %c0_i32, %c0_i32_0 : i32, i32
  }
  func.func @transform_7(%arg0: i32) -> (i32, i32) {
    %c0_i32 = arith.constant 0 : i32
    %c0_i32_0 = arith.constant 0 : i32
    %c0_i32_1 = arith.constant 0 : i32
    return %c0_i32, %c0_i32_0 : i32, i32
  }
  func.func @transform_8(%arg0: i32) -> (i32, i32) {
    %c0_i32 = arith.constant 0 : i32
    %c0_i32_0 = arith.constant 0 : i32
    %c0_i32_1 = arith.constant 0 : i32
    return %c0_i32, %c0_i32_0 : i32, i32
  }
  func.func @transform_9(%arg0: i32) -> (i32, i32) {
    %c0_i32 = arith.constant 0 : i32
    %c0_i32_0 = arith.constant 0 : i32
    %c0_i32_1 = arith.constant 0 : i32
    return %c0_i32, %c0_i32_0 : i32, i32
  }
  func.func @transform_10(%arg0: i32) -> (i32, i32) {
    %c0_i32 = arith.constant 0 : i32
    %c0_i32_0 = arith.constant 0 : i32
    return %arg0, %c0_i32 : i32, i32
  }
  func.func @transform_11(%arg0: i32) -> (i32, i32) {
    %c0_i32 = arith.constant 0 : i32
    %c0_i32_0 = arith.constant 0 : i32
    return %arg0, %c0_i32 : i32, i32
  }
}

</mosaic_0001>

<sc_bundles>
// kernel: kernel.6.cloned.1.call-start
scs
__scs_entry_jumppad:
0x0: {  	(pc) =	sbr.rel $0x88, $3  }
0x1: {  	(tag) =	ssettag $0x0;
	lr =	simm.s32 $0x1  }
0x2: {  	[smem:$0x3F95] =	sst lr;
	_ =	strace $0xD0000000  }
0x3: {  	_ = 	snop  }
0x4: {  	_ = 	snop  }
0x5: {  	_ = 	snop  }
0x6: {  	_ = 	snop  }
0x7: {  	_ = 	snop  }
__scs_overlays_trampoline_lowered:
0x8: {  	[smem:$0x3FA4] =	sst s0  }
0x9: {  	[smem:$0x3FA5] =	sst s1  }
0xa: {  	[smem:$0x3FA6] =	sst s2  }
0xb: {  	[smem:$0x3FA7] =	sst s3  }
0xc: {  	[smem:$0x3FA8] =	sst s4  }
0xd: {  	[smem:$0x3FA9] =	sst s5  }
0xe: {  	[smem:$0x3FAA] =	sst s6  }
0xf: {  	[smem:$0x3FAB] =	sst s7  }
0x10: {  	[smem:$0x3FAC] =	sst s8  }
0x11: {  	[smem:$0x3FAD] =	sst s9;
	s0 =	simm.s32 @!p0 $0x0  }
0x12: {  	s1 =	sld [smem:$0x3F93];
	s0 =	simm.s32 @p0 $0x1  }
0x13: {  	[smem:$0x3FAE] =	sst s0;
	s0 =	simm.s32 @!p1 $0x0  }
0x14: {  	s2 =	sld [smem:$0x3F92];
	s0 =	simm.s32 @p1 $0x1  }
0x15: {  	[smem:$0x3FAF] =	sst s0;
	s0 =	simm.s32 @!p2 $0x0  }
0x16: {  	s3 =	sld [smem:$0x3FDB];
	s0 =	simm.s32 @p2 $0x1  }
0x17: {  	s4 =	simm.s32 $0x1BF5;
	[smem:$0x3FB1] =	sst s0  }
0x18: {  	s0 =	sld [smem:$0x3F94];
	_ =	swait.ge [sflag:s4], $0x0  }
0x19: {  	s7 =	sld [smem:$0x3F95]  }
0x1a: {  	s8 =	sadd.s32 $0xFFFFE003, lr  }
0x1b: {  	s9 =	sadd.s32 $0xFFFFFEF7, lr;
	s5 =	simm.s32 $0xFFFFFFFF;
	p2 =	slt.u32 s8, $0xFFFFF086  }
0x1c: {  	p1 =	slt.u32 s9, $0xF7A;
	s5 =	simm.s32 @!p2 $0x0  }
0x1d: {  	s5 =	simm.s32 @p1 $0x1;
	p0 =	seq.s32 s7, s2  }
0x1e: {  	s7 =	smul.u32 @!p0 $0xF7A, s2;
	p2 =	seq.s32 @!p0 s5, $0x0  }
0x1f: {  	s9 =	smul.u32 $0xF7A, s1;
	s8 =	simm.s32 @!p0 $0x1BF5;
	p2 =	por !p2, p0  }
0x20: {  	[sflag:s8] =	ssyncset.s32 @!p0 $0xFFFFF086;
	s6 =	sadd.s32 @!p0 s3, s7;
	s7 =	simm.s32 @!p0 $0x108  }
0x21: {  	s3 =	sadd.s32 s3, s9;
	s6 =	sadd.s32 @!p0 $0x88, s6;
	s7 =	simm.s32 @p2 $0x1082  }
0x22: {  	[simem:s7], [sflag:s8] =	dma.local @!p0 [hbm:s6], $0xF7A  }
0x23: {  	s9 =	sor.u32 $0xD0000000, s2;
	s6 =	simm.s32 $0x108;
	_ =	swait.ge @!p0 [sflag:s8], $0x0  }
0x24: {  	s3 =	sadd.s32 $0x88, s3;
	s6 =	simm.s32 @!p1 $0x1082;
	[sflag:s4] =	ssyncset.s32 $0xFFFFF086  }
0x25: {  	[simem:s6], [sflag:s4] =	dma.local [hbm:s3], $0xF7A  }
0x26: {  	[smem:$0x3F95] =	sst s1;
	(tag) =	ssettag s2;
	_ =	strace s9  }
0x27: {  	s1 =	sld [smem:$0x3FA5]  }
0x28: {  	s2 =	sld [smem:$0x3FA6]  }
0x29: {  	s4 =	sld [smem:$0x3FA8]  }
0x2a: {  	p0 =	seq.s32 s5, $0x0;
	s5 =	sld [smem:$0x3FA9]  }
0x2b: {  	s6 =	sld [smem:$0x3FAA]  }
0x2c: {  	s7 =	sld [smem:$0x3FAB]  }
0x2d: {  	s3 =	simm.s32 $0x108;
	s8 =	sld [smem:$0x3FAC]  }
0x2e: {  	s3 =	simm.s32 @!p0 $0x1082;
	s9 =	sld [smem:$0x3FAD]  }
0x2f: {  	lr =	sadd.s32 s0, s3;
	s0 =	sld [smem:$0x3FA4]  }
0x30: {  	s3 =	sld [smem:$0x3FA7]  }
0x31: {  	[smem:$0x3FB0] =	sst s10  }
0x32: {  	s10 =	sld [smem:$0x3FAE];
	_ =	sdelay $0x3  }
0x33: {  	p0 =	seq.s32 s10, $0x1;
	s10 =	sld [smem:$0x3FB0];
	_ =	sdelay $0x3  }
0x34: {  	[smem:$0x3FB0] =	sst s10  }
0x35: {  	s10 =	sld [smem:$0x3FAF];
	_ =	sdelay $0x3  }
0x36: {  	p1 =	seq.s32 s10, $0x1;
	s10 =	sld [smem:$0x3FB0];
	_ =	sdelay $0x3  }
0x37: {  	[smem:$0x3FB0] =	sst s10  }
0x38: {  	s10 =	sld [smem:$0x3FB1]  }
0x39: {  	_ = 	snop;
	(pc) =	sbr.ind lr, $3  }
0x3a: {  	_ = 	snop  }
0x3b: {  	_ = 	snop  }
0x3c: {  	p2 =	seq.s32 s10, $0x1;
	s10 =	sld [smem:$0x3FB0]  }
0x3d: {  	_ =	shalt  }
0x3e: {  	_ =	shalt  }
0x3f: {  	_ =	shalt  }
0x40: {  	_ =	shalt  }
0x41: {  	_ =	shalt  }
0x42: {  	_ =	shalt  }
0x43: {  	_ =	shalt  }
0x44: {  	_ =	shalt  }
0x45: {  	_ =	shalt  }
0x46: {  	_ =	shalt  }
0x47: {  	_ =	shalt  }
0x48: {  	_ =	shalt  }
0x49: {  	_ =	shalt  }
0x4a: {  	_ =	shalt  }
0x4b: {  	_ =	shalt  }
0x4c: {  	_ =	shalt  }
0x4d: {  	_ =	shalt  }
0x4e: {  	_ =	shalt  }
0x4f: {  	_ =	shalt  }
0x50: {  	_ =	shalt  }
0x51: {  	_ =	shalt  }
0x52: {  	_ =	shalt  }
0x53: {  	_ =	shalt  }
0x54: {  	_ =	shalt  }
0x55: {  	_ =	shalt  }
0x56: {  	_ =	shalt  }
0x57: {  	_ =	shalt  }
0x58: {  	_ =	shalt  }
0x59: {  	_ =	shalt  }
0x5a: {  	_ =	shalt  }
0x5b: {  	_ =	shalt  }
0x5c: {  	_ =	shalt  }
0x5d: {  	_ =	shalt  }
0x5e: {  	_ =	shalt  }
0x5f: {  	_ =	shalt  }
0x60: {  	_ =	shalt  }
0x61: {  	_ =	shalt  }
0x62: {  	_ =	shalt  }
0x63: {  	_ =	shalt  }
0x64: {  	_ =	shalt  }
0x65: {  	_ =	shalt  }
0x66: {  	_ =	shalt  }
0x67: {  	_ =	shalt  }
0x68: {  	_ =	shalt  }
0x69: {  	_ =	shalt  }
0x6a: {  	_ =	shalt  }
0x6b: {  	_ =	shalt  }
0x6c: {  	_ =	shalt  }
0x6d: {  	_ =	shalt  }
0x6e: {  	_ =	shalt  }
0x6f: {  	_ =	shalt  }
0x70: {  	_ =	shalt  }
0x71: {  	_ =	shalt  }
0x72: {  	_ =	shalt  }
0x73: {  	_ =	shalt  }
0x74: {  	_ =	shalt  }
0x75: {  	_ =	shalt  }
0x76: {  	_ =	shalt  }
0x77: {  	_ =	shalt  }
0x78: {  	_ =	shalt  }
0x79: {  	_ =	shalt  }
0x7a: {  	_ =	shalt  }
0x7b: {  	_ =	shalt  }
0x7c: {  	_ =	shalt  }
0x7d: {  	_ =	shalt  }
0x7e: {  	_ =	shalt  }
0x7f: {  	_ =	shalt  }
0x80: {  	_ =	shalt  }
0x81: {  	_ =	shalt  }
0x82: {  	_ =	shalt  }
0x83: {  	_ =	shalt  }
0x84: {  	_ =	shalt  }
0x85: {  	_ =	shalt  }
0x86: {  	_ =	shalt  }
0x87: {  	_ =	shalt  }
.Lfunc_end0:
.L_simem_size_0:
called_computation_lowered:
.L_overlay_start_0:
0x88: {  	s2 =	sld [smem:$0x3FD9]  }
0x89: {  	s3 =	sld [smem:$0x3FFE];
	_ =	sdelay $0x1  }
0x8a: {  	s1 =	srdreg.scid  }
0x8b: {  	s0 =	sand.u32 $0x1, s1  }
0x8c: {  	s17 =	sshll.u32 s0, $0xA;
	s2 =	sadd.s32 s3, s2  }
0x8d: {  	s2 =	sadd.s32 s2, s17  }
0x8e: {  	[smem:$0x3FBC] =	sst s2  }
0x8f: {  	_ = 	snop  }
0x90: {  	s2 =	sld [smem:$0x3FC9];
	(tm) =	ssettm $0x1  }
0x91: {  	s18 =	sld [smem:$0x3FFB];
	_ =	sdelay $0x3  }
0x92: {  	_ =	strace s18  }
0x93: {  	s3 =	sld [smem:$0x3FFC];
	_ =	sdelay $0x3  }
0x94: {  	_ =	strace s3  }
0x95: {  	s3 =	sld [smem:$0x3FFD];
	_ =	sdelay $0x3  }
0x96: {  	_ =	strace s3  }
0x97: {  	_ =	strace $0x8FFFFFFF  }
0x98: {  	s19 =	sld [smem:$0x3FDB];
	_ =	sdelay $0x1  }
0x99: {  	s4 =	simm.s32 $_scs_section_size  }
0x9a: {  	s5 =	simm.s32 $_size__tile_overlayer_lowered;
	s6 =	simm.s32 $_tile_overlayer_lowered  }
0x9b: {  	s22 =	simm.s32 $0x1BFF;
	s21 =	sshll.u32 s6, $0x1;
	s3 =	sadd.s32 s4, s19  }
0x9c: {  	s7 =	simm.s32 $0x0;
	s20 =	sshll.u32 s5, $0x1;
	s5 =	sadd.s32 s21, s3  }
0x9d: {  	[timem:s7], [sflag:s22] =	dma.local [hbm:s5], s20  }
0x9e: {  	_ =	swait.ge [sflag:s22], s20  }
0x9f: {  	s4 =	ssub.s32 $0x0, s20;
	[sflag:s22] =	ssyncset.done $0x0  }
0xa0: {  	[sflag:s22] =	ssyncadd.s32 s4;
	_ =	sdelay $0x1  }
0xa1: {  	s23 =	simm.s32 $0x1B8B  }
0xa2: {  	_ =	swait.ge [sflag:s23], $0x1  }
0xa3: {  	[sflag:s23] =	ssyncset.done $0x0  }
0xa4: {  	s25 =	simm.s32 $0x1B8E;
	s24 =	sld [smem:$0x3FFE];
	[sflag:s23] =	ssyncadd.s32 $0xFFFFFFFF  }
0xa5: {  	s26 =	simm.s32 $execute0_lowered;
	[smem:$0x3FD2] =	sst s25  }
0xa6: {  	s5 =	sshll.u32 s26, $0x1;
	_ =	strace $0x80000046;
	[dreg:$0x1] =	wrdreg $0xFFFFFFFF  }
0xa7: {  	s28 =	simm.s32 $_size_execute0_lowered;
	s3 =	sadd.s32 s3, s5;
	[dreg:$0x0] =	wrdreg $0x0  }
0xa8: {  	s5 =	sshll.u32 s28, $0x1;
	[dreg:$0x2] =	wrdreg s3  }
0xa9: {  	[dreg:$0x3] =	wrdreg s5  }
0xaa: {  	[dreg:$0x4] =	wrdreg $0xC0  }
0xab: {  	_ =	task [dreg:s7], $0x5FFFF  }
0xac: {  	[dreg:$0x1] =	wrdreg $0xFFFFFFFF  }
0xad: {  	[dreg:$0x0] =	wrdreg $0x60  }
0xae: {  	[dreg:$0x2] =	wrdreg s2  }
0xaf: {  	[dreg:$0x3] =	wrdreg s24  }
0xb0: {  	[dreg:$0x4] =	wrdreg $0x0  }
0xb1: {  	[dreg:$0x5] =	wrdreg $0x9  }
0xb2: {  	_ =	task.clear_ibuf [dreg:s7], $0x6FFFF;
	_ =	strace $0x90000046  }
0xb3: {  	s29 =	simm.s32 $0x9;
	_ =	strace $0x80000048  }
0xb4: {  	_ =	swait.ge [sflag:s29], $0x1  }
0xb5: {  	[sflag:s29] =	ssyncadd.s32 $0xFFFFFFFF  }
0xb6: {  	_ =	strace $0x90000048  }
0xb7: {  	_ =	sfence  }
0xb8: {  	s30 =	sld [smem:$0x0];
	_ =	sdelay $0x2  }
0xb9: {  	s31 =	sshll.u32 s1, $0xD;
	s1 =	sshrl.u32 s1, $0x2  }
0xba: {  	s3 =	sand.u32 $0x4000, s31;
	s1 =	sadd.s32 s1, s30  }
0xbb: {  	s0 =	sor.u32 s3, s0;
	s1 =	sshll.u32 s1, $0x11  }
0xbc: {  	s0 =	sor.u32 s1, s0  }
0xbd: {  	s0 =	sadd.s32 $0x8F2B, s0  }
0xbe: {  	[sflag:s0] =	ssyncadd.remote.s32 $0x1  }
0xbf: {  	_ =	sfence.sel $0xFFFF  }
0xc0: {  	[dreg:$0x0] =	wrdreg $0xFFFFFFFF;
	(pc) =	sbr.abs _section_cstart, $3  }
0xc1: {  	[dreg:$0x1] =	wrdreg $0xFFFFFFFF  }
0xc2: {  	_ =	task.clear_ibuf [dreg:s7], $0x2FFFF;
	_ =	strace $0x9FFFFFFF  }
0xc3: {  	(tm) =	ssettm $0x7FFFFFFF  }
tec
execute0_lowered:
.L_overlay_start_1:
0x0: {  	(tag) =	ssettag $0x1  }
0x1: {  	s1 =	rddreg [dreg:$0x0];
	s0 =	srdreg.scid  }
0x2: {  	s13 =	stileid.u32;
	s2 =	rddreg [dreg:$0x1]  }
0x3: {  	s3 =	rddreg [dreg:$0x2];
	s28 =	simm.s32 $0x1B900;
	s6 =	smul.u32 $0x14000, s13  }
0x4: {  	s29 =	simm.s32 $0x16880;
	s30 =	simm.s32 $0x1;
	s12 =	smul.u32 $0x50000, s13  }
0x5: {  	s0 =	sand.u32 $0x1, s0;
	s4 =	sshll.u32 s13, $0x1;
	s21 =	smul.u32 $0x4E20, s13  }
0x6: {  	s31 =	simm.s32 $0x4;
	s5 =	sor.u32 s0, s4;
	s8 =	smul.u32 $0x140000, s0  }
0x7: {  	s4 =	simm.s32 $0x0;
	s19 =	ssub.s32 $0x2, s0;
	s0 =	smul.u32 $0x2710, s0  }
0x8: {  	s23 =	sshll.u32 s13, $0x6;
	s5 =	smul.u32 $0x2710, s5;
	[smem:$0x7FF] =	sst s4  }
0x9: {  	s10 =	sshrl.u32 s6, $0x3;
	s11 =	sshrl.u32 s19, $0x1;
	s22 =	sshrl.u32 s12, $0x2  }
0xa: {  	_ =	strace $0x80000047;
	s10 =	sadd.s32 s10, s2;
	s6 =	sadd.s32 s6, s8  }
0xb: {  	s20 =	ssub.s32 s19, s11;
	[dreg:$0x6] =	wrdreg s23;
	s0 =	sadd.s32 s0, s21  }
0xc: {  	s21 =	simm.s32 $0x16900;
	s7 =	sshrl.u32 s5, $0x3;
	s5 =	sadd.s32 $0x2000, s2  }
0xd: {  	s6 =	sshrl.u32 s6, $0x3;
	s10 =	sadd.s32 $0x15C00, s10;
	s24 =	sadd.s32 $0x140, s0  }
0xe: {  	s25 =	sadd.s32 $0xA0, s0;
	s15 =	sadd.s32 $0xF0, s0;
	s0 =	simm.s32 $0x2  }
0xf: {  	s9 =	sadd.s32 s7, s2;
	s2 =	sadd.s32 s6, s2;
	[dreg:$0x5] =	wrdreg s10  }
0x10: {  	s10 =	sor.u32 $0x1C08, s23;
	s7 =	sadd.s32 s5, s7;
	s6 =	smax.u32 s20, $0x1  }
0x11: {  	s26 =	sshrl.u32 s25, $0x3;
	s20 =	simm.s32 $0x50;
	[dreg:$0x7] =	wrdreg s10  }
0x12: {  	s25 =	simm.s32 $0x16800;
	s23 =	simm.s32 $0x5;
	[dreg:$0x8] =	wrdreg s7  }
0x13: {  	s9 =	sadd.s32 $0xBE00, s9;
	s7 =	sadd.s32 $0xA, s7;
	[dreg:$0xb] =	wrdreg s6  }
0x14: {  	s2 =	sadd.s32 $0x3DC00, s2;
	s16 =	sadd.s32 s26, s5;
	[dreg:$0x4] =	wrdreg s9  }
0x15: {  	s6 =	simm.s32 $0x3;
	s9 =	sadd.s32 s22, s3;
	[dreg:$0x9] =	wrdreg s7  }
0x16: {  	[dreg:$0xa] =	wrdreg s2;
	s2 =	sshrl.u32 s24, $0x3;
	s22 =	simm.s32 $0x16780  }
0x17: {  	s24 =	simm.s32 $0x19100;
	s7 =	simm.s32 $0x6;
	s14 =	sadd.s32 s2, s5  }
0x18: {  	s18 =	sshrl.u32 s9, $0x3;
	s2 =	simm.s32 $0x9;
	s9 =	simm.s32 $0x0  }
.LBB2_1:
0x19: {  	s8 =	rddreg [dreg:$0x4]  }
0x1a: {  	s13 =	rddreg [dreg:$0x5]  }
0x1b: {  	s11 =	simm.s32 $0x14000;
	s10 =	rddreg [dreg:$0x7];
	s17 =	simm.s32 $0x7  }
0x1c: {  	[tilespmem:s11], [sflag:$0x7] =	stream.linear.gather [hbm4b:s8+s4], $0x2710, $0x38;
	[tilespmem:$0x1E100] =	vst v63  }
0x1d: {  	[spmem:s18], [sflag:s10] =	dma.local [hbm:s13], $0x2800  }
0x1e: {  	_ =	swait.ge [sflag:s17], $0x2710  }
0x1f: {  	[sflag:s17] =	ssyncset.done $0x0  }
0x20: {  	[sflag:s17] =	ssyncadd.s32 $0xFFFFD8F0  }
0x21: {  	[tilespmem:s21], [sflag:$0x1] =	stream.indirect.gather [hbm4b:s1+s20], $0x80, s11, s20, $0xb8;
	[tilespmem:$0x1E100] =	vst v63  }
0x22: {  	s19 =	rddreg [dreg:$0x8]  }
0x23: {  	[tilespmem:s22], [sflag:$0x4] =	stream.linear.gather [hbm4b:s19+s4], $0x50, $0x38;
	[tilespmem:$0x1E100] =	vst v63  }
0x24: {  	s26 =	simm.s32 $0x14050  }
0x25: {  	[tilespmem:s24], [sflag:$0x2] =	stream.indirect.gather [hbm4b:s1+s20], $0x80, s26, s20, $0xb8;
	[tilespmem:$0x1E100] =	vst v63  }
0x26: {  	s10 =	rddreg [dreg:$0x9];
	s11 =	simm.s32 $0x8  }
0x27: {  	[tilespmem:s25], [sflag:$0x5] =	stream.linear.gather [hbm4b:s10+s4], $0x50, $0x38;
	[tilespmem:$0x1E100] =	vst v63  }
0x28: {  	_ =	swait.ge [sflag:s11], $0x2800  }
0x29: {  	[sflag:s11] =	ssyncset.done $0x0  }
0x2a: {  	[sflag:s11] =	ssyncadd.s32 $0xFFFFD800  }
0x2b: {  	s12 =	simm.s32 $0x140A0;
	[bflag:$0x0] =	sbarrier.arrive $0xFFFF  }
0x2c: {  	[tilespmem:s28], [sflag:$0x3] =	stream.indirect.gather [hbm4b:s1+s20], $0x80, s12, s20, $0xb8;
	[tilespmem:$0x1E100] =	vst v63  }
0x2d: {  	_ = 	snop  }
0x2e: {  	[tilespmem:s29], [sflag:$0x6] =	stream.linear.gather [hbm4b:s16+s4], $0x50, $0x38;
	[tilespmem:$0x1E100] =	vst v63  }
0x2f: {  	_ =	swait.ge [sflag:s30], $0x2800  }
0x30: {  	[sflag:s30] =	ssyncset.done $0x0  }
0x31: {  	[sflag:s30] =	ssyncadd.s32 $0xFFFFD800  }
0x32: {  	_ =	swait.ge [sflag:s31], $0x50  }
0x33: {  	[sflag:s31] =	ssyncset.done $0x0  }
0x34: {  	[sflag:s31] =	ssyncadd.s32 $0xFFFFFFB0  }
0x35: {  	[spmem:s3] =	stream.indirect.scatter.add.f32 [tilespmem:s21], [sflag:$0x9], $0x80, s22, s20, $0xb8;
	[tilespmem:$0x1E100] =	vst v63  }
0x36: {  	_ =	swait.ge [sflag:s2], $0x2800  }
0x37: {  	[sflag:s2] =	ssyncset.done $0x0  }
0x38: {  	s13 =	simm.s32 $0x140F0;
	s17 =	sshrl.u32 s15, $0x3;
	[sflag:s2] =	ssyncadd.s32 $0xFFFFD800  }
0x39: {  	[tilespmem:s21], [sflag:$0x1] =	stream.indirect.gather [hbm4b:s1+s20], $0x80, s13, s20, $0xb8;
	[tilespmem:$0x1E100] =	vst v63  }
0x3a: {  	s19 =	sadd.s32 s5, s17  }
0x3b: {  	[tilespmem:s22], [sflag:$0x4] =	stream.linear.gather [hbm4b:s19+s4], $0x50, $0x38;
	[tilespmem:$0x1E100] =	vst v63  }
0x3c: {  	_ =	swait.ge [sflag:s0], $0x2800  }
0x3d: {  	[sflag:s0] =	ssyncset.done $0x0  }
0x3e: {  	[sflag:s0] =	ssyncadd.s32 $0xFFFFD800  }
0x3f: {  	_ =	swait.ge [sflag:s23], $0x50  }
0x40: {  	[sflag:s23] =	ssyncset.done $0x0  }
0x41: {  	[sflag:s23] =	ssyncadd.s32 $0xFFFFFFB0  }
0x42: {  	[spmem:s3] =	stream.indirect.scatter.add.f32 [tilespmem:s24], [sflag:$0x9], $0x80, s25, s20, $0xb8;
	[tilespmem:$0x1E100] =	vst v63  }
0x43: {  	_ =	swait.ge [sflag:s2], $0x2800  }
0x44: {  	[sflag:s2] =	ssyncset.done $0x0  }
0x45: {  	s26 =	simm.s32 $0x14140;
	[sflag:s2] =	ssyncadd.s32 $0xFFFFD800  }
0x46: {  	[tilespmem:s24], [sflag:$0x2] =	stream.indirect.gather [hbm4b:s1+s20], $0x80, s26, s20, $0xb8;
	[tilespmem:$0x1E100] =	vst v63  }
0x47: {  	_ = 	snop  }
0x48: {  	[tilespmem:s25], [sflag:$0x5] =	stream.linear.gather [hbm4b:s14+s4], $0x50, $0x38;
	[tilespmem:$0x1E100] =	vst v63  }
0x49: {  	_ =	swait.ge [sflag:s6], $0x2800  }
0x4a: {  	[sflag:s6] =	ssyncset.done $0x0  }
0x4b: {  	[sflag:s6] =	ssyncadd.s32 $0xFFFFD800  }
0x4c: {  	_ =	swait.ge [sflag:s7], $0x50  }
0x4d: {  	[sflag:s7] =	ssyncset.done $0x0  }
0x4e: {  	s8 =	sadd.s32 $0x1E, s16;
	[sflag:s7] =	ssyncadd.s32 $0xFFFFFFB0  }
0x4f: {  	[spmem:s3] =	stream.indirect.scatter.add.f32 [tilespmem:s28], [sflag:$0x9], $0x80, s29, s20, $0xb8;
	[tilespmem:$0x1E100] =	vst v63  }
0x50: {  	s17 =	simm.s32 $0x780;
	s11 =	sadd.s32 $0x1E, s14;
	_ =	swait.ge [sflag:s2], $0x2800  }
0x51: {  	s12 =	sadd.s32 $0xF0, s15;
	s13 =	simm.s32 $0xF0;
	[sflag:s2] =	ssyncset.done $0x0  }
.LBB2_2:
0x52: {  	s26 =	sadd.s32 $0x140A0, s13  }
0x53: {  	[sflag:s2] =	ssyncadd.s32 $0xFFFFD800;
	s10 =	smov.u32 s17;
	s19 =	sadd.s32 $0x3C0, s17  }
0x54: {  	[tilespmem:s28], [sflag:$0x3] =	stream.indirect.gather [hbm4b:s1+s20], $0x80, s26, s20, $0xb8;
	[tilespmem:$0x1E100] =	vst v63  }
0x55: {  	p0 =	sne.s32 s17, $0x9600  }
0x56: {  	[tilespmem:s29], [sflag:$0x6] =	stream.linear.gather [hbm4b:s8+s4], $0x50, $0x38;
	[tilespmem:$0x1E100] =	vst v63  }
0x57: {  	_ =	swait.ge [sflag:s30], $0x2800  }
0x58: {  	[sflag:s30] =	ssyncset.done $0x0  }
0x59: {  	[sflag:s30] =	ssyncadd.s32 $0xFFFFD800  }
0x5a: {  	_ =	swait.ge [sflag:s31], $0x50  }
0x5b: {  	[sflag:s31] =	ssyncset.done $0x0  }
0x5c: {  	[sflag:s31] =	ssyncadd.s32 $0xFFFFFFB0  }
0x5d: {  	[spmem:s3] =	stream.indirect.scatter.add.f32 [tilespmem:s21], [sflag:$0x9], $0x80, s22, s20, $0xb8;
	[tilespmem:$0x1E100] =	vst v63  }
0x5e: {  	_ =	swait.ge [sflag:s2], $0x2800  }
0x5f: {  	[sflag:s2] =	ssyncset.done $0x0  }
0x60: {  	s17 =	sadd.s32 $0x140F0, s13;
	s26 =	sshrl.u32 s12, $0x3;
	[sflag:s2] =	ssyncadd.s32 $0xFFFFD800  }
0x61: {  	[tilespmem:s21], [sflag:$0x1] =	stream.indirect.gather [hbm4b:s1+s20], $0x80, s17, s20, $0xb8;
	[tilespmem:$0x1E100] =	vst v63  }
0x62: {  	s17 =	sadd.s32 s5, s26  }
0x63: {  	[tilespmem:s22], [sflag:$0x4] =	stream.linear.gather [hbm4b:s17+s4], $0x50, $0x38;
	[tilespmem:$0x1E100] =	vst v63  }
0x64: {  	_ =	swait.ge [sflag:s0], $0x2800  }
0x65: {  	[sflag:s0] =	ssyncset.done $0x0  }
0x66: {  	[sflag:s0] =	ssyncadd.s32 $0xFFFFD800  }
0x67: {  	_ =	swait.ge [sflag:s23], $0x50  }
0x68: {  	[sflag:s23] =	ssyncset.done $0x0  }
0x69: {  	[sflag:s23] =	ssyncadd.s32 $0xFFFFFFB0  }
0x6a: {  	[spmem:s3] =	stream.indirect.scatter.add.f32 [tilespmem:s24], [sflag:$0x9], $0x80, s25, s20, $0xb8;
	[tilespmem:$0x1E100] =	vst v63  }
0x6b: {  	_ =	swait.ge [sflag:s2], $0x2800  }
0x6c: {  	[sflag:s2] =	ssyncset.done $0x0  }
0x6d: {  	s13 =	sadd.s32 $0x14140, s13;
	[sflag:s2] =	ssyncadd.s32 $0xFFFFD800  }
0x6e: {  	[tilespmem:s24], [sflag:$0x2] =	stream.indirect.gather [hbm4b:s1+s20], $0x80, s13, s20, $0xb8;
	[tilespmem:$0x1E100] =	vst v63  }
0x6f: {  	_ = 	snop  }
0x70: {  	[tilespmem:s25], [sflag:$0x5] =	stream.linear.gather [hbm4b:s11+s4], $0x50, $0x38;
	[tilespmem:$0x1E100] =	vst v63  }
0x71: {  	_ =	swait.ge [sflag:s6], $0x2800  }
0x72: {  	[sflag:s6] =	ssyncset.done $0x0  }
0x73: {  	[sflag:s6] =	ssyncadd.s32 $0xFFFFD800  }
0x74: {  	_ =	swait.ge [sflag:s7], $0x50  }
.Ltmp0:
0x75: {  	[sflag:s7] =	ssyncset.done $0x0;
	(pc) =	sbr.rel @p0 .LBB2_2-.Ltmp0, $4  }
0x76: {  	s12 =	sadd.s32 $0xF0, s12;
	[sflag:s7] =	ssyncadd.s32 $0xFFFFFFB0  }
0x77: {  	[spmem:s3] =	stream.indirect.scatter.add.f32 [tilespmem:s28], [sflag:$0x9], $0x80, s29, s20, $0xb8;
	[tilespmem:$0x1E100] =	vst v63  }
0x78: {  	s8 =	sadd.s32 $0x1E, s8;
	s17 =	smov.u32 s19;
	_ =	swait.ge [sflag:s2], $0x2800  }
0x79: {  	s13 =	sshra.s32 s10, $0x2;
	s11 =	sadd.s32 $0x1E, s11;
	[sflag:s2] =	ssyncset.done $0x0  }
0x7a: {  	s10 =	sadd.s32 $0x140A0, s13;
	[sflag:s2] =	ssyncadd.s32 $0xFFFFD800  }
0x7b: {  	[tilespmem:s28], [sflag:$0x3] =	stream.indirect.gather [hbm4b:s1+s20], $0x80, s10, s20, $0xb8;
	[tilespmem:$0x1E100] =	vst v63  }
0x7c: {  	_ = 	snop  }
0x7d: {  	[tilespmem:s29], [sflag:$0x6] =	stream.linear.gather [hbm4b:s8+s4], $0x50, $0x38;
	[tilespmem:$0x1E100] =	vst v63  }
0x7e: {  	_ =	swait.ge [sflag:s30], $0x2800  }
0x7f: {  	[sflag:s30] =	ssyncset.done $0x0  }
0x80: {  	[sflag:s30] =	ssyncadd.s32 $0xFFFFD800  }
0x81: {  	_ =	swait.ge [sflag:s31], $0x50  }
0x82: {  	[sflag:s31] =	ssyncset.done $0x0  }
0x83: {  	[sflag:s31] =	ssyncadd.s32 $0xFFFFFFB0  }
0x84: {  	[spmem:s3] =	stream.indirect.scatter.add.f32 [tilespmem:s21], [sflag:$0x9], $0x80, s22, s20, $0xb8;
	[tilespmem:$0x1E100] =	vst v63  }
0x85: {  	_ =	swait.ge [sflag:s2], $0x2800  }
0x86: {  	[sflag:s2] =	ssyncset.done $0x0  }
0x87: {  	s12 =	sshrl.u32 s12, $0x3;
	s10 =	sadd.s32 $0x140F0, s13;
	[sflag:s2] =	ssyncadd.s32 $0xFFFFD800  }
0x88: {  	[tilespmem:s21], [sflag:$0x1] =	stream.indirect.gather [hbm4b:s1+s20], $0x80, s10, s20, $0xb8;
	[tilespmem:$0x1E100] =	vst v63  }
0x89: {  	s8 =	sadd.s32 s5, s12  }
0x8a: {  	[tilespmem:s22], [sflag:$0x4] =	stream.linear.gather [hbm4b:s8+s4], $0x50, $0x38;
	[tilespmem:$0x1E100] =	vst v63  }
0x8b: {  	_ =	swait.ge [sflag:s0], $0x2800  }
0x8c: {  	[sflag:s0] =	ssyncset.done $0x0  }
0x8d: {  	[sflag:s0] =	ssyncadd.s32 $0xFFFFD800  }
0x8e: {  	_ =	swait.ge [sflag:s23], $0x50  }
0x8f: {  	[sflag:s23] =	ssyncset.done $0x0  }
0x90: {  	[sflag:s23] =	ssyncadd.s32 $0xFFFFFFB0  }
0x91: {  	[spmem:s3] =	stream.indirect.scatter.add.f32 [tilespmem:s24], [sflag:$0x9], $0x80, s25, s20, $0xb8;
	[tilespmem:$0x1E100] =	vst v63  }
0x92: {  	_ =	swait.ge [sflag:s2], $0x2800  }
0x93: {  	[sflag:s2] =	ssyncset.done $0x0  }
0x94: {  	s13 =	sadd.s32 $0x14140, s13;
	[sflag:s2] =	ssyncadd.s32 $0xFFFFD800  }
0x95: {  	[tilespmem:s24], [sflag:$0x2] =	stream.indirect.gather [hbm4b:s1+s20], $0x80, s13, s20, $0xb8;
	[tilespmem:$0x1E100] =	vst v63  }
0x96: {  	_ = 	snop  }
0x97: {  	[tilespmem:s25], [sflag:$0x5] =	stream.linear.gather [hbm4b:s11+s4], $0x50, $0x38;
	[tilespmem:$0x1E100] =	vst v63  }
0x98: {  	_ =	swait.ge [sflag:s6], $0x2800  }
0x99: {  	[sflag:s6] =	ssyncset.done $0x0  }
0x9a: {  	[sflag:s6] =	ssyncadd.s32 $0xFFFFD800  }
0x9b: {  	_ =	swait.ge [sflag:s7], $0x50  }
0x9c: {  	[sflag:s7] =	ssyncset.done $0x0  }
0x9d: {  	[sflag:s7] =	ssyncadd.s32 $0xFFFFFFB0  }
0x9e: {  	[spmem:s3] =	stream.indirect.scatter.add.f32 [tilespmem:s28], [sflag:$0x9], $0x80, s29, s20, $0xb8;
	[tilespmem:$0x1E100] =	vst v63  }
0x9f: {  	_ =	swait.ge [sflag:s2], $0x2800  }
0xa0: {  	[sflag:s2] =	ssyncset.done $0x0  }
0xa1: {  	[sflag:s2] =	ssyncadd.s32 $0xFFFFD800  }
0xa2: {  	_ =	swait.ge [sflag:s30], $0x2800  }
0xa3: {  	[sflag:s30] =	ssyncset.done $0x0  }
0xa4: {  	[sflag:s30] =	ssyncadd.s32 $0xFFFFD800  }
0xa5: {  	_ =	swait.ge [sflag:s31], $0x50  }
0xa6: {  	[sflag:s31] =	ssyncset.done $0x0  }
0xa7: {  	[sflag:s31] =	ssyncadd.s32 $0xFFFFFFB0  }
0xa8: {  	[spmem:s3] =	stream.indirect.scatter.add.f32 [tilespmem:s21], [sflag:$0x9], $0x80, s22, s20, $0xb8;
	[tilespmem:$0x1E100] =	vst v63  }
0xa9: {  	_ =	swait.ge [sflag:s2], $0x2800  }
0xaa: {  	[sflag:s2] =	ssyncset.done $0x0  }
0xab: {  	[sflag:s2] =	ssyncadd.s32 $0xFFFFD800  }
0xac: {  	_ =	swait.ge [sflag:s0], $0x2800  }
0xad: {  	[sflag:s0] =	ssyncset.done $0x0  }
0xae: {  	[sflag:s0] =	ssyncadd.s32 $0xFFFFD800  }
0xaf: {  	_ =	swait.ge [sflag:s23], $0x50  }
0xb0: {  	[sflag:s23] =	ssyncset.done $0x0  }
0xb1: {  	[sflag:s23] =	ssyncadd.s32 $0xFFFFFFB0  }
0xb2: {  	[spmem:s3] =	stream.indirect.scatter.add.f32 [tilespmem:s24], [sflag:$0x9], $0x80, s25, s20, $0xb8;
	[tilespmem:$0x1E100] =	vst v63  }
0xb3: {  	_ =	swait.ge [sflag:s2], $0x2800  }
0xb4: {  	[sflag:s2] =	ssyncset.done $0x0  }
0xb5: {  	[sflag:s2] =	ssyncadd.s32 $0xFFFFD800  }
0xb6: {  	[bflag:$0x0] =	sbarrier.arrive $0xFFFF  }
0xb7: {  	s17 =	rddreg [dreg:$0x6]  }
0xb8: {  	s19 =	rddreg [dreg:$0xa];
	s8 =	sor.u32 $0x1C09, s17  }
0xb9: {  	[hbm:s19], [sflag:s8] =	dma.local [spmem:s18], $0x2800  }
0xba: {  	_ =	swait.ge [sflag:s2], $0x2800  }
0xbb: {  	s9 =	sadd.s32 $0x1, s9;
	s26 =	rddreg [dreg:$0xb]  }
0xbc: {  	p0 =	sne.s32 s9, s26  }
.Ltmp1:
0xbd: {  	_ = 	snop;
	(pc) =	sbr.rel @p0 .LBB2_1-.Ltmp1, $3  }
0xbe: {  	_ =	sdelay $0x1  }
0xbf: {  	[sflag:s2] =	ssyncset.done $0x0  }
0xc0: {  	[sflag:s2] =	ssyncadd.s32 $0xFFFFD800  }
0xc1: {  	_ =	sfence.sel $0x180000  }
0xc2: {  	[bflag:$0x0] =	sbarrier.arrive $0xFFFF  }
0xc3: {  	_ =	strace $0x90000047  }
0xc4: {  	s0 =	stileid.u32;
	[bflag:$0x2] =	sbarrier.arrive $0xFFFF  }
0xc5: {  	p0 =	sne.s32 s0, $0x0;
	s0 =	rddreg [dreg:$0x3]  }
0xc6: {  	s0 =	sadd.s32 @!p0 $0x100000, s0  }
0xc7: {  	[sflag:s0] =	ssyncadd.tile.s32 @!p0 $0x1;
	_ =	shalt  }
.Lfunc_end2:
_tile_overlayer_lowered:
.L_overlay_start_2:
0xc8: {  	(tag) =	ssettag $0x2  }
0xc9: {  	s0 =	rddreg [dreg:$0x0];
	s2 =	stileid.u32  }
0xca: {  	s1 =	rddreg [dreg:$0x1];
	p0 =	sne.s32 s2, $0x0  }
0xcb: {  	s3 =	rddreg [dreg:$0x2];
	[bflag:$0x3] =	sbarrier.arrive $0xFFFF;
	s2 =	simm.s32 @!p0 $0x1C09  }
0xcc: {  	[timem:s3], [sflag:s2] =	dma.local @!p0 [hbm:s0], s1  }
0xcd: {  	s0 =	simm.s32 @!p0 $0x9  }
0xce: {  	_ =	swait.ge @!p0 [sflag:s0], s1  }
0xcf: {  	s1 =	ssub.s32 @!p0 $0x0, s1;
	[sflag:s0] =	ssyncset.done @!p0 $0x0  }
0xd0: {  	[sflag:s0] =	ssyncadd.s32 @!p0 s1  }
0xd1: {  	[bflag:$0x3] =	sbarrier.arrive $0xFFFF  }
0xd2: {  	_ =	shalt  }

// kernel: kernel.9.cloned.1.call-start
scs
__scs_entry_jumppad:
0x0: {  	(pc) =	sbr.rel $0x88, $3  }
0x1: {  	(tag) =	ssettag $0x0;
	lr =	simm.s32 $0x1  }
0x2: {  	[smem:$0x3F95] =	sst lr;
	_ =	strace $0xD0000000  }
0x3: {  	_ = 	snop  }
0x4: {  	_ = 	snop  }
0x5: {  	_ = 	snop  }
0x6: {  	_ = 	snop  }
0x7: {  	_ = 	snop  }
__scs_overlays_trampoline_lowered:
0x8: {  	[smem:$0x3FA4] =	sst s0  }
0x9: {  	[smem:$0x3FA5] =	sst s1  }
0xa: {  	[smem:$0x3FA6] =	sst s2  }
0xb: {  	[smem:$0x3FA7] =	sst s3  }
0xc: {  	[smem:$0x3FA8] =	sst s4  }
0xd: {  	[smem:$0x3FA9] =	sst s5  }
0xe: {  	[smem:$0x3FAA] =	sst s6  }
0xf: {  	[smem:$0x3FAB] =	sst s7  }
0x10: {  	[smem:$0x3FAC] =	sst s8  }
0x11: {  	[smem:$0x3FAD] =	sst s9;
	s0 =	simm.s32 @!p0 $0x0  }
0x12: {  	s1 =	sld [smem:$0x3F93];
	s0 =	simm.s32 @p0 $0x1  }
0x13: {  	[smem:$0x3FAE] =	sst s0;
	s0 =	simm.s32 @!p1 $0x0  }
0x14: {  	s2 =	sld [smem:$0x3F92];
	s0 =	simm.s32 @p1 $0x1  }
0x15: {  	[smem:$0x3FAF] =	sst s0;
	s0 =	simm.s32 @!p2 $0x0  }
0x16: {  	s3 =	sld [smem:$0x3FDB];
	s0 =	simm.s32 @p2 $0x1  }
0x17: {  	s4 =	simm.s32 $0x1BF5;
	[smem:$0x3FB1] =	sst s0  }
0x18: {  	s0 =	sld [smem:$0x3F94];
	_ =	swait.ge [sflag:s4], $0x0  }
0x19: {  	s7 =	sld [smem:$0x3F95]  }
0x1a: {  	s8 =	sadd.s32 $0xFFFFE003, lr  }
0x1b: {  	s9 =	sadd.s32 $0xFFFFFEF7, lr;
	s5 =	simm.s32 $0xFFFFFFFF;
	p2 =	slt.u32 s8, $0xFFFFF086  }
0x1c: {  	p1 =	slt.u32 s9, $0xF7A;
	s5 =	simm.s32 @!p2 $0x0  }
0x1d: {  	s5 =	simm.s32 @p1 $0x1;
	p0 =	seq.s32 s7, s2  }
0x1e: {  	s7 =	smul.u32 @!p0 $0xF7A, s2;
	p2 =	seq.s32 @!p0 s5, $0x0  }
0x1f: {  	s9 =	smul.u32 $0xF7A, s1;
	s8 =	simm.s32 @!p0 $0x1BF5;
	p2 =	por !p2, p0  }
0x20: {  	[sflag:s8] =	ssyncset.s32 @!p0 $0xFFFFF086;
	s6 =	sadd.s32 @!p0 s3, s7;
	s7 =	simm.s32 @!p0 $0x108  }
0x21: {  	s3 =	sadd.s32 s3, s9;
	s6 =	sadd.s32 @!p0 $0x88, s6;
	s7 =	simm.s32 @p2 $0x1082  }
0x22: {  	[simem:s7], [sflag:s8] =	dma.local @!p0 [hbm:s6], $0xF7A  }
0x23: {  	s9 =	sor.u32 $0xD0000000, s2;
	s6 =	simm.s32 $0x108;
	_ =	swait.ge @!p0 [sflag:s8], $0x0  }
0x24: {  	s3 =	sadd.s32 $0x88, s3;
	s6 =	simm.s32 @!p1 $0x1082;
	[sflag:s4] =	ssyncset.s32 $0xFFFFF086  }
0x25: {  	[simem:s6], [sflag:s4] =	dma.local [hbm:s3], $0xF7A  }
0x26: {  	[smem:$0x3F95] =	sst s1;
	(tag) =	ssettag s2;
	_ =	strace s9  }
0x27: {  	s1 =	sld [smem:$0x3FA5]  }
0x28: {  	s2 =	sld [smem:$0x3FA6]  }
0x29: {  	s4 =	sld [smem:$0x3FA8]  }
0x2a: {  	p0 =	seq.s32 s5, $0x0;
	s5 =	sld [smem:$0x3FA9]  }
0x2b: {  	s6 =	sld [smem:$0x3FAA]  }
0x2c: {  	s7 =	sld [smem:$0x3FAB]  }
0x2d: {  	s3 =	simm.s32 $0x108;
	s8 =	sld [smem:$0x3FAC]  }
0x2e: {  	s3 =	simm.s32 @!p0 $0x1082;
	s9 =	sld [smem:$0x3FAD]  }
0x2f: {  	lr =	sadd.s32 s0, s3;
	s0 =	sld [smem:$0x3FA4]  }
0x30: {  	s3 =	sld [smem:$0x3FA7]  }
0x31: {  	[smem:$0x3FB0] =	sst s10  }
0x32: {  	s10 =	sld [smem:$0x3FAE];
	_ =	sdelay $0x3  }
0x33: {  	p0 =	seq.s32 s10, $0x1;
	s10 =	sld [smem:$0x3FB0];
	_ =	sdelay $0x3  }
0x34: {  	[smem:$0x3FB0] =	sst s10  }
0x35: {  	s10 =	sld [smem:$0x3FAF];
	_ =	sdelay $0x3  }
0x36: {  	p1 =	seq.s32 s10, $0x1;
	s10 =	sld [smem:$0x3FB0];
	_ =	sdelay $0x3  }
0x37: {  	[smem:$0x3FB0] =	sst s10  }
0x38: {  	s10 =	sld [smem:$0x3FB1]  }
0x39: {  	_ = 	snop;
	(pc) =	sbr.ind lr, $3  }
0x3a: {  	_ = 	snop  }
0x3b: {  	_ = 	snop  }
0x3c: {  	p2 =	seq.s32 s10, $0x1;
	s10 =	sld [smem:$0x3FB0]  }
0x3d: {  	_ =	shalt  }
0x3e: {  	_ =	shalt  }
0x3f: {  	_ =	shalt  }
0x40: {  	_ =	shalt  }
0x41: {  	_ =	shalt  }
0x42: {  	_ =	shalt  }
0x43: {  	_ =	shalt  }
0x44: {  	_ =	shalt  }
0x45: {  	_ =	shalt  }
0x46: {  	_ =	shalt  }
0x47: {  	_ =	shalt  }
0x48: {  	_ =	shalt  }
0x49: {  	_ =	shalt  }
0x4a: {  	_ =	shalt  }
0x4b: {  	_ =	shalt  }
0x4c: {  	_ =	shalt  }
0x4d: {  	_ =	shalt  }
0x4e: {  	_ =	shalt  }
0x4f: {  	_ =	shalt  }
0x50: {  	_ =	shalt  }
0x51: {  	_ =	shalt  }
0x52: {  	_ =	shalt  }
0x53: {  	_ =	shalt  }
0x54: {  	_ =	shalt  }
0x55: {  	_ =	shalt  }
0x56: {  	_ =	shalt  }
0x57: {  	_ =	shalt  }
0x58: {  	_ =	shalt  }
0x59: {  	_ =	shalt  }
0x5a: {  	_ =	shalt  }
0x5b: {  	_ =	shalt  }
0x5c: {  	_ =	shalt  }
0x5d: {  	_ =	shalt  }
0x5e: {  	_ =	shalt  }
0x5f: {  	_ =	shalt  }
0x60: {  	_ =	shalt  }
0x61: {  	_ =	shalt  }
0x62: {  	_ =	shalt  }
0x63: {  	_ =	shalt  }
0x64: {  	_ =	shalt  }
0x65: {  	_ =	shalt  }
0x66: {  	_ =	shalt  }
0x67: {  	_ =	shalt  }
0x68: {  	_ =	shalt  }
0x69: {  	_ =	shalt  }
0x6a: {  	_ =	shalt  }
0x6b: {  	_ =	shalt  }
0x6c: {  	_ =	shalt  }
0x6d: {  	_ =	shalt  }
0x6e: {  	_ =	shalt  }
0x6f: {  	_ =	shalt  }
0x70: {  	_ =	shalt  }
0x71: {  	_ =	shalt  }
0x72: {  	_ =	shalt  }
0x73: {  	_ =	shalt  }
0x74: {  	_ =	shalt  }
0x75: {  	_ =	shalt  }
0x76: {  	_ =	shalt  }
0x77: {  	_ =	shalt  }
0x78: {  	_ =	shalt  }
0x79: {  	_ =	shalt  }
0x7a: {  	_ =	shalt  }
0x7b: {  	_ =	shalt  }
0x7c: {  	_ =	shalt  }
0x7d: {  	_ =	shalt  }
0x7e: {  	_ =	shalt  }
0x7f: {  	_ =	shalt  }
0x80: {  	_ =	shalt  }
0x81: {  	_ =	shalt  }
0x82: {  	_ =	shalt  }
0x83: {  	_ =	shalt  }
0x84: {  	_ =	shalt  }
0x85: {  	_ =	shalt  }
0x86: {  	_ =	shalt  }
0x87: {  	_ =	shalt  }
.Lfunc_end0:
.L_simem_size_0:
called_computation.1_lowered:
.L_overlay_start_0:
0x88: {  	s2 =	sld [smem:$0x3FD9]  }
0x89: {  	s3 =	sld [smem:$0x3FFE];
	_ =	sdelay $0x1  }
0x8a: {  	s1 =	srdreg.scid  }
0x8b: {  	s0 =	sand.u32 $0x1, s1  }
0x8c: {  	s14 =	sshll.u32 s0, $0xA;
	s2 =	sadd.s32 s3, s2  }
0x8d: {  	s2 =	sadd.s32 s2, s14  }
0x8e: {  	[smem:$0x3FBC] =	sst s2  }
0x8f: {  	_ = 	snop  }
0x90: {  	s2 =	sld [smem:$0x3FD0];
	_ =	sdelay $0x2  }
0x91: {  	s15 =	simm.s32 $0xA;
	s4 =	simm.s32 $0x10  }
0x92: {  	[smem:s4], [sflag:s15] =	dma.local [hbm:s2], $0x1  }
0x93: {  	_ =	swait.eq [sflag:s15], $0x1  }
0x94: {  	[sflag:s15] =	ssyncset.done $0x0  }
0x95: {  	[sflag:s15] =	ssyncadd.s32 $0xFFFFFFFF  }
0x96: {  	s16 =	sld [smem:$0x12];
	(tm) =	ssettm $0x1  }
0x97: {  	s17 =	sld [smem:$0x3FFB];
	_ =	sdelay $0x3  }
0x98: {  	_ =	strace s17  }
0x99: {  	s3 =	sld [smem:$0x3FFC];
	_ =	sdelay $0x3  }
0x9a: {  	_ =	strace s3  }
0x9b: {  	s3 =	sld [smem:$0x3FFD];
	_ =	sdelay $0x3  }
0x9c: {  	_ =	strace s3  }
0x9d: {  	_ =	strace $0x8FFFFFFF  }
0x9e: {  	s18 =	sld [smem:$0x3FDB];
	_ =	sdelay $0x1  }
0x9f: {  	s19 =	simm.s32 $_scs_section_size  }
0xa0: {  	s5 =	simm.s32 $_size__tile_overlayer_lowered;
	s6 =	simm.s32 $_tile_overlayer_lowered  }
0xa1: {  	s22 =	simm.s32 $0x1BFF;
	s21 =	sshll.u32 s6, $0x1;
	s3 =	sadd.s32 s19, s18  }
0xa2: {  	s7 =	simm.s32 $0x0;
	s20 =	sshll.u32 s5, $0x1;
	s5 =	sadd.s32 s21, s3  }
0xa3: {  	[timem:s7], [sflag:s22] =	dma.local [hbm:s5], s20  }
0xa4: {  	_ =	swait.ge [sflag:s22], s20  }
0xa5: {  	s4 =	ssub.s32 $0x0, s20;
	[sflag:s22] =	ssyncset.done $0x0  }
0xa6: {  	[sflag:s22] =	ssyncadd.s32 s4;
	_ =	sdelay $0x1  }
0xa7: {  	s23 =	simm.s32 $0x1B8B  }
0xa8: {  	_ =	swait.ge [sflag:s23], $0x1  }
0xa9: {  	[sflag:s23] =	ssyncset.done $0x0  }
0xaa: {  	s25 =	simm.s32 $0x1B8E;
	s24 =	sld [smem:$0x3FFE];
	[sflag:s23] =	ssyncadd.s32 $0xFFFFFFFF  }
0xab: {  	s26 =	simm.s32 $execute0_lowered;
	[smem:$0x3FD2] =	sst s25  }
0xac: {  	s5 =	sshll.u32 s26, $0x1;
	_ =	strace $0x80000049;
	[dreg:$0x1] =	wrdreg $0xFFFFFFFF  }
0xad: {  	s28 =	simm.s32 $_size_execute0_lowered;
	s3 =	sadd.s32 s3, s5;
	[dreg:$0x0] =	wrdreg $0x0  }
0xae: {  	s5 =	sshll.u32 s28, $0x1;
	[dreg:$0x2] =	wrdreg s3  }
0xaf: {  	[dreg:$0x3] =	wrdreg s5  }
0xb0: {  	[dreg:$0x4] =	wrdreg $0xC0  }
0xb1: {  	_ =	task [dreg:s7], $0x5FFFF  }
0xb2: {  	[dreg:$0x1] =	wrdreg $0xFFFFFFFF  }
0xb3: {  	[dreg:$0x0] =	wrdreg $0x60  }
0xb4: {  	[dreg:$0x2] =	wrdreg s16  }
0xb5: {  	[dreg:$0x3] =	wrdreg s24  }
0xb6: {  	[dreg:$0x4] =	wrdreg $0x0  }
0xb7: {  	[dreg:$0x5] =	wrdreg $0x9  }
0xb8: {  	_ =	task.clear_ibuf [dreg:s7], $0x6FFFF;
	_ =	strace $0x90000049  }
0xb9: {  	s29 =	simm.s32 $0x9;
	_ =	strace $0x8000004B  }
0xba: {  	_ =	swait.ge [sflag:s29], $0x1  }
0xbb: {  	[sflag:s29] =	ssyncadd.s32 $0xFFFFFFFF  }
0xbc: {  	_ =	strace $0x9000004B  }
0xbd: {  	_ =	sfence  }
0xbe: {  	s30 =	sld [smem:$0x0];
	_ =	sdelay $0x2  }
0xbf: {  	s31 =	sshll.u32 s1, $0xD;
	s1 =	sshrl.u32 s1, $0x2  }
0xc0: {  	s3 =	sand.u32 $0x4000, s31;
	s1 =	sadd.s32 s1, s30  }
0xc1: {  	s0 =	sor.u32 s3, s0;
	s1 =	sshll.u32 s1, $0x11  }
0xc2: {  	s0 =	sor.u32 s1, s0  }
0xc3: {  	s0 =	sadd.s32 $0x8F2B, s0  }
0xc4: {  	[sflag:s0] =	ssyncadd.remote.s32 $0x1  }
0xc5: {  	_ =	sfence.sel $0xFFFF  }
0xc6: {  	[dreg:$0x0] =	wrdreg $0xFFFFFFFF;
	(pc) =	sbr.abs _section_cstart, $3  }
0xc7: {  	[dreg:$0x1] =	wrdreg $0xFFFFFFFF  }
0xc8: {  	_ =	task.clear_ibuf [dreg:s7], $0x2FFFF;
	_ =	strace $0x9FFFFFFF  }
0xc9: {  	(tm) =	ssettm $0x7FFFFFFF  }
tec
execute0_lowered:
.L_overlay_start_1:
0x0: {  	(tag) =	ssettag $0x1  }
0x1: {  	s1 =	rddreg [dreg:$0x0];
	s0 =	srdreg.scid  }
0x2: {  	s13 =	stileid.u32;
	s2 =	rddreg [dreg:$0x1]  }
0x3: {  	s3 =	rddreg [dreg:$0x2];
	s28 =	simm.s32 $0x1B900;
	s6 =	smul.u32 $0x14000, s13  }
0x4: {  	s29 =	simm.s32 $0x16880;
	s30 =	simm.s32 $0x1;
	s12 =	smul.u32 $0x50000, s13  }
0x5: {  	s0 =	sand.u32 $0x1, s0;
	s4 =	sshll.u32 s13, $0x1;
	s21 =	smul.u32 $0x4E20, s13  }
0x6: {  	s31 =	simm.s32 $0x4;
	s5 =	sor.u32 s0, s4;
	s8 =	smul.u32 $0x140000, s0  }
0x7: {  	s4 =	simm.s32 $0x0;
	s19 =	ssub.s32 $0x2, s0;
	s0 =	smul.u32 $0x2710, s0  }
0x8: {  	s23 =	sshll.u32 s13, $0x6;
	s5 =	smul.u32 $0x2710, s5;
	[smem:$0x7FF] =	sst s4  }
0x9: {  	s10 =	sshrl.u32 s6, $0x3;
	s11 =	sshrl.u32 s19, $0x1;
	s22 =	sshrl.u32 s12, $0x2  }
0xa: {  	_ =	strace $0x8000004A;
	s10 =	sadd.s32 s10, s2;
	s6 =	sadd.s32 s6, s8  }
0xb: {  	s20 =	ssub.s32 s19, s11;
	[dreg:$0x6] =	wrdreg s23;
	s0 =	sadd.s32 s0, s21  }
0xc: {  	s21 =	simm.s32 $0x16900;
	s7 =	sshrl.u32 s5, $0x3;
	s5 =	sadd.s32 $0x2000, s2  }
0xd: {  	s6 =	sshrl.u32 s6, $0x3;
	s10 =	sadd.s32 $0x15C00, s10;
	s24 =	sadd.s32 $0x140, s0  }
0xe: {  	s25 =	sadd.s32 $0xA0, s0;
	s15 =	sadd.s32 $0xF0, s0;
	s0 =	simm.s32 $0x2  }
0xf: {  	s9 =	sadd.s32 s7, s2;
	s2 =	sadd.s32 s6, s2;
	[dreg:$0x5] =	wrdreg s10  }
0x10: {  	s10 =	sor.u32 $0x1C08, s23;
	s7 =	sadd.s32 s5, s7;
	s6 =	smax.u32 s20, $0x1  }
0x11: {  	s26 =	sshrl.u32 s25, $0x3;
	s20 =	simm.s32 $0x50;
	[dreg:$0x7] =	wrdreg s10  }
0x12: {  	s25 =	simm.s32 $0x16800;
	s23 =	simm.s32 $0x5;
	[dreg:$0x8] =	wrdreg s7  }
0x13: {  	s9 =	sadd.s32 $0xBE00, s9;
	s7 =	sadd.s32 $0xA, s7;
	[dreg:$0xb] =	wrdreg s6  }
0x14: {  	s2 =	sadd.s32 $0x3DC00, s2;
	s16 =	sadd.s32 s26, s5;
	[dreg:$0x4] =	wrdreg s9  }
0x15: {  	s6 =	simm.s32 $0x3;
	s9 =	sadd.s32 s22, s3;
	[dreg:$0x9] =	wrdreg s7  }
0x16: {  	[dreg:$0xa] =	wrdreg s2;
	s2 =	sshrl.u32 s24, $0x3;
	s22 =	simm.s32 $0x16780  }
0x17: {  	s24 =	simm.s32 $0x19100;
	s7 =	simm.s32 $0x6;
	s14 =	sadd.s32 s2, s5  }
0x18: {  	s18 =	sshrl.u32 s9, $0x3;
	s2 =	simm.s32 $0x9;
	s9 =	simm.s32 $0x0  }
.LBB2_1:
0x19: {  	s8 =	rddreg [dreg:$0x4]  }
0x1a: {  	s13 =	rddreg [dreg:$0x5]  }
0x1b: {  	s11 =	simm.s32 $0x14000;
	s10 =	rddreg [dreg:$0x7];
	s17 =	simm.s32 $0x7  }
0x1c: {  	[tilespmem:s11], [sflag:$0x7] =	stream.linear.gather [hbm4b:s8+s4], $0x2710, $0x38;
	[tilespmem:$0x1E100] =	vst v63  }
0x1d: {  	[spmem:s18], [sflag:s10] =	dma.local [hbm:s13], $0x2800  }
0x1e: {  	_ =	swait.ge [sflag:s17], $0x2710  }
0x1f: {  	[sflag:s17] =	ssyncset.done $0x0  }
0x20: {  	[sflag:s17] =	ssyncadd.s32 $0xFFFFD8F0  }
0x21: {  	[tilespmem:s21], [sflag:$0x1] =	stream.indirect.gather [hbm4b:s1+s20], $0x80, s11, s20, $0xb8;
	[tilespmem:$0x1E100] =	vst v63  }
0x22: {  	s19 =	rddreg [dreg:$0x8]  }
0x23: {  	[tilespmem:s22], [sflag:$0x4] =	stream.linear.gather [hbm4b:s19+s4], $0x50, $0x38;
	[tilespmem:$0x1E100] =	vst v63  }
0x24: {  	s26 =	simm.s32 $0x14050  }
0x25: {  	[tilespmem:s24], [sflag:$0x2] =	stream.indirect.gather [hbm4b:s1+s20], $0x80, s26, s20, $0xb8;
	[tilespmem:$0x1E100] =	vst v63  }
0x26: {  	s10 =	rddreg [dreg:$0x9];
	s11 =	simm.s32 $0x8  }
0x27: {  	[tilespmem:s25], [sflag:$0x5] =	stream.linear.gather [hbm4b:s10+s4], $0x50, $0x38;
	[tilespmem:$0x1E100] =	vst v63  }
0x28: {  	_ =	swait.ge [sflag:s11], $0x2800  }
0x29: {  	[sflag:s11] =	ssyncset.done $0x0  }
0x2a: {  	[sflag:s11] =	ssyncadd.s32 $0xFFFFD800  }
0x2b: {  	s12 =	simm.s32 $0x140A0;
	[bflag:$0x0] =	sbarrier.arrive $0xFFFF  }
0x2c: {  	[tilespmem:s28], [sflag:$0x3] =	stream.indirect.gather [hbm4b:s1+s20], $0x80, s12, s20, $0xb8;
	[tilespmem:$0x1E100] =	vst v63  }
0x2d: {  	_ = 	snop  }
0x2e: {  	[tilespmem:s29], [sflag:$0x6] =	stream.linear.gather [hbm4b:s16+s4], $0x50, $0x38;
	[tilespmem:$0x1E100] =	vst v63  }
0x2f: {  	_ =	swait.ge [sflag:s30], $0x2800  }
0x30: {  	[sflag:s30] =	ssyncset.done $0x0  }
0x31: {  	[sflag:s30] =	ssyncadd.s32 $0xFFFFD800  }
0x32: {  	_ =	swait.ge [sflag:s31], $0x50  }
0x33: {  	[sflag:s31] =	ssyncset.done $0x0  }
0x34: {  	[sflag:s31] =	ssyncadd.s32 $0xFFFFFFB0  }
0x35: {  	[spmem:s3] =	stream.indirect.scatter.add.f32 [tilespmem:s21], [sflag:$0x9], $0x80, s22, s20, $0xb8;
	[tilespmem:$0x1E100] =	vst v63  }
0x36: {  	_ =	swait.ge [sflag:s2], $0x2800  }
0x37: {  	[sflag:s2] =	ssyncset.done $0x0  }
0x38: {  	s13 =	simm.s32 $0x140F0;
	s17 =	sshrl.u32 s15, $0x3;
	[sflag:s2] =	ssyncadd.s32 $0xFFFFD800  }
0x39: {  	[tilespmem:s21], [sflag:$0x1] =	stream.indirect.gather [hbm4b:s1+s20], $0x80, s13, s20, $0xb8;
	[tilespmem:$0x1E100] =	vst v63  }
0x3a: {  	s19 =	sadd.s32 s5, s17  }
0x3b: {  	[tilespmem:s22], [sflag:$0x4] =	stream.linear.gather [hbm4b:s19+s4], $0x50, $0x38;
	[tilespmem:$0x1E100] =	vst v63  }
0x3c: {  	_ =	swait.ge [sflag:s0], $0x2800  }
0x3d: {  	[sflag:s0] =	ssyncset.done $0x0  }
0x3e: {  	[sflag:s0] =	ssyncadd.s32 $0xFFFFD800  }
0x3f: {  	_ =	swait.ge [sflag:s23], $0x50  }
0x40: {  	[sflag:s23] =	ssyncset.done $0x0  }
0x41: {  	[sflag:s23] =	ssyncadd.s32 $0xFFFFFFB0  }
0x42: {  	[spmem:s3] =	stream.indirect.scatter.add.f32 [tilespmem:s24], [sflag:$0x9], $0x80, s25, s20, $0xb8;
	[tilespmem:$0x1E100] =	vst v63  }
0x43: {  	_ =	swait.ge [sflag:s2], $0x2800  }
0x44: {  	[sflag:s2] =	ssyncset.done $0x0  }
0x45: {  	s26 =	simm.s32 $0x14140;
	[sflag:s2] =	ssyncadd.s32 $0xFFFFD800  }
0x46: {  	[tilespmem:s24], [sflag:$0x2] =	stream.indirect.gather [hbm4b:s1+s20], $0x80, s26, s20, $0xb8;
	[tilespmem:$0x1E100] =	vst v63  }
0x47: {  	_ = 	snop  }
0x48: {  	[tilespmem:s25], [sflag:$0x5] =	stream.linear.gather [hbm4b:s14+s4], $0x50, $0x38;
	[tilespmem:$0x1E100] =	vst v63  }
0x49: {  	_ =	swait.ge [sflag:s6], $0x2800  }
0x4a: {  	[sflag:s6] =	ssyncset.done $0x0  }
0x4b: {  	[sflag:s6] =	ssyncadd.s32 $0xFFFFD800  }
0x4c: {  	_ =	swait.ge [sflag:s7], $0x50  }
0x4d: {  	[sflag:s7] =	ssyncset.done $0x0  }
0x4e: {  	s8 =	sadd.s32 $0x1E, s16;
	[sflag:s7] =	ssyncadd.s32 $0xFFFFFFB0  }
0x4f: {  	[spmem:s3] =	stream.indirect.scatter.add.f32 [tilespmem:s28], [sflag:$0x9], $0x80, s29, s20, $0xb8;
	[tilespmem:$0x1E100] =	vst v63  }
0x50: {  	s17 =	simm.s32 $0x780;
	s11 =	sadd.s32 $0x1E, s14;
	_ =	swait.ge [sflag:s2], $0x2800  }
0x51: {  	s12 =	sadd.s32 $0xF0, s15;
	s13 =	simm.s32 $0xF0;
	[sflag:s2] =	ssyncset.done $0x0  }
.LBB2_2:
0x52: {  	s26 =	sadd.s32 $0x140A0, s13  }
0x53: {  	[sflag:s2] =	ssyncadd.s32 $0xFFFFD800;
	s10 =	smov.u32 s17;
	s19 =	sadd.s32 $0x3C0, s17  }
0x54: {  	[tilespmem:s28], [sflag:$0x3] =	stream.indirect.gather [hbm4b:s1+s20], $0x80, s26, s20, $0xb8;
	[tilespmem:$0x1E100] =	vst v63  }
0x55: {  	p0 =	sne.s32 s17, $0x9600  }
0x56: {  	[tilespmem:s29], [sflag:$0x6] =	stream.linear.gather [hbm4b:s8+s4], $0x50, $0x38;
	[tilespmem:$0x1E100] =	vst v63  }
0x57: {  	_ =	swait.ge [sflag:s30], $0x2800  }
0x58: {  	[sflag:s30] =	ssyncset.done $0x0  }
0x59: {  	[sflag:s30] =	ssyncadd.s32 $0xFFFFD800  }
0x5a: {  	_ =	swait.ge [sflag:s31], $0x50  }
0x5b: {  	[sflag:s31] =	ssyncset.done $0x0  }
0x5c: {  	[sflag:s31] =	ssyncadd.s32 $0xFFFFFFB0  }
0x5d: {  	[spmem:s3] =	stream.indirect.scatter.add.f32 [tilespmem:s21], [sflag:$0x9], $0x80, s22, s20, $0xb8;
	[tilespmem:$0x1E100] =	vst v63  }
0x5e: {  	_ =	swait.ge [sflag:s2], $0x2800  }
0x5f: {  	[sflag:s2] =	ssyncset.done $0x0  }
0x60: {  	s17 =	sadd.s32 $0x140F0, s13;
	s26 =	sshrl.u32 s12, $0x3;
	[sflag:s2] =	ssyncadd.s32 $0xFFFFD800  }
0x61: {  	[tilespmem:s21], [sflag:$0x1] =	stream.indirect.gather [hbm4b:s1+s20], $0x80, s17, s20, $0xb8;
	[tilespmem:$0x1E100] =	vst v63  }
0x62: {  	s17 =	sadd.s32 s5, s26  }
0x63: {  	[tilespmem:s22], [sflag:$0x4] =	stream.linear.gather [hbm4b:s17+s4], $0x50, $0x38;
	[tilespmem:$0x1E100] =	vst v63  }
0x64: {  	_ =	swait.ge [sflag:s0], $0x2800  }
0x65: {  	[sflag:s0] =	ssyncset.done $0x0  }
0x66: {  	[sflag:s0] =	ssyncadd.s32 $0xFFFFD800  }
0x67: {  	_ =	swait.ge [sflag:s23], $0x50  }
0x68: {  	[sflag:s23] =	ssyncset.done $0x0  }
0x69: {  	[sflag:s23] =	ssyncadd.s32 $0xFFFFFFB0  }
0x6a: {  	[spmem:s3] =	stream.indirect.scatter.add.f32 [tilespmem:s24], [sflag:$0x9], $0x80, s25, s20, $0xb8;
	[tilespmem:$0x1E100] =	vst v63  }
0x6b: {  	_ =	swait.ge [sflag:s2], $0x2800  }
0x6c: {  	[sflag:s2] =	ssyncset.done $0x0  }
0x6d: {  	s13 =	sadd.s32 $0x14140, s13;
	[sflag:s2] =	ssyncadd.s32 $0xFFFFD800  }
0x6e: {  	[tilespmem:s24], [sflag:$0x2] =	stream.indirect.gather [hbm4b:s1+s20], $0x80, s13, s20, $0xb8;
	[tilespmem:$0x1E100] =	vst v63  }
0x6f: {  	_ = 	snop  }
0x70: {  	[tilespmem:s25], [sflag:$0x5] =	stream.linear.gather [hbm4b:s11+s4], $0x50, $0x38;
	[tilespmem:$0x1E100] =	vst v63  }
0x71: {  	_ =	swait.ge [sflag:s6], $0x2800  }
0x72: {  	[sflag:s6] =	ssyncset.done $0x0  }
0x73: {  	[sflag:s6] =	ssyncadd.s32 $0xFFFFD800  }
0x74: {  	_ =	swait.ge [sflag:s7], $0x50  }
.Ltmp0:
0x75: {  	[sflag:s7] =	ssyncset.done $0x0;
	(pc) =	sbr.rel @p0 .LBB2_2-.Ltmp0, $4  }
0x76: {  	s12 =	sadd.s32 $0xF0, s12;
	[sflag:s7] =	ssyncadd.s32 $0xFFFFFFB0  }
0x77: {  	[spmem:s3] =	stream.indirect.scatter.add.f32 [tilespmem:s28], [sflag:$0x9], $0x80, s29, s20, $0xb8;
	[tilespmem:$0x1E100] =	vst v63  }
0x78: {  	s8 =	sadd.s32 $0x1E, s8;
	s17 =	smov.u32 s19;
	_ =	swait.ge [sflag:s2], $0x2800  }
0x79: {  	s13 =	sshra.s32 s10, $0x2;
	s11 =	sadd.s32 $0x1E, s11;
	[sflag:s2] =	ssyncset.done $0x0  }
0x7a: {  	s10 =	sadd.s32 $0x140A0, s13;
	[sflag:s2] =	ssyncadd.s32 $0xFFFFD800  }
0x7b: {  	[tilespmem:s28], [sflag:$0x3] =	stream.indirect.gather [hbm4b:s1+s20], $0x80, s10, s20, $0xb8;
	[tilespmem:$0x1E100] =	vst v63  }
0x7c: {  	_ = 	snop  }
0x7d: {  	[tilespmem:s29], [sflag:$0x6] =	stream.linear.gather [hbm4b:s8+s4], $0x50, $0x38;
	[tilespmem:$0x1E100] =	vst v63  }
0x7e: {  	_ =	swait.ge [sflag:s30], $0x2800  }
0x7f: {  	[sflag:s30] =	ssyncset.done $0x0  }
0x80: {  	[sflag:s30] =	ssyncadd.s32 $0xFFFFD800  }
0x81: {  	_ =	swait.ge [sflag:s31], $0x50  }
0x82: {  	[sflag:s31] =	ssyncset.done $0x0  }
0x83: {  	[sflag:s31] =	ssyncadd.s32 $0xFFFFFFB0  }
0x84: {  	[spmem:s3] =	stream.indirect.scatter.add.f32 [tilespmem:s21], [sflag:$0x9], $0x80, s22, s20, $0xb8;
	[tilespmem:$0x1E100] =	vst v63  }
0x85: {  	_ =	swait.ge [sflag:s2], $0x2800  }
0x86: {  	[sflag:s2] =	ssyncset.done $0x0  }
0x87: {  	s12 =	sshrl.u32 s12, $0x3;
	s10 =	sadd.s32 $0x140F0, s13;
	[sflag:s2] =	ssyncadd.s32 $0xFFFFD800  }
0x88: {  	[tilespmem:s21], [sflag:$0x1] =	stream.indirect.gather [hbm4b:s1+s20], $0x80, s10, s20, $0xb8;
	[tilespmem:$0x1E100] =	vst v63  }
0x89: {  	s8 =	sadd.s32 s5, s12  }
0x8a: {  	[tilespmem:s22], [sflag:$0x4] =	stream.linear.gather [hbm4b:s8+s4], $0x50, $0x38;
	[tilespmem:$0x1E100] =	vst v63  }
0x8b: {  	_ =	swait.ge [sflag:s0], $0x2800  }
0x8c: {  	[sflag:s0] =	ssyncset.done $0x0  }
0x8d: {  	[sflag:s0] =	ssyncadd.s32 $0xFFFFD800  }
0x8e: {  	_ =	swait.ge [sflag:s23], $0x50  }
0x8f: {  	[sflag:s23] =	ssyncset.done $0x0  }
0x90: {  	[sflag:s23] =	ssyncadd.s32 $0xFFFFFFB0  }
0x91: {  	[spmem:s3] =	stream.indirect.scatter.add.f32 [tilespmem:s24], [sflag:$0x9], $0x80, s25, s20, $0xb8;
	[tilespmem:$0x1E100] =	vst v63  }
0x92: {  	_ =	swait.ge [sflag:s2], $0x2800  }
0x93: {  	[sflag:s2] =	ssyncset.done $0x0  }
0x94: {  	s13 =	sadd.s32 $0x14140, s13;
	[sflag:s2] =	ssyncadd.s32 $0xFFFFD800  }
0x95: {  	[tilespmem:s24], [sflag:$0x2] =	stream.indirect.gather [hbm4b:s1+s20], $0x80, s13, s20, $0xb8;
	[tilespmem:$0x1E100] =	vst v63  }
0x96: {  	_ = 	snop  }
0x97: {  	[tilespmem:s25], [sflag:$0x5] =	stream.linear.gather [hbm4b:s11+s4], $0x50, $0x38;
	[tilespmem:$0x1E100] =	vst v63  }
0x98: {  	_ =	swait.ge [sflag:s6], $0x2800  }
0x99: {  	[sflag:s6] =	ssyncset.done $0x0  }
0x9a: {  	[sflag:s6] =	ssyncadd.s32 $0xFFFFD800  }
0x9b: {  	_ =	swait.ge [sflag:s7], $0x50  }
0x9c: {  	[sflag:s7] =	ssyncset.done $0x0  }
0x9d: {  	[sflag:s7] =	ssyncadd.s32 $0xFFFFFFB0  }
0x9e: {  	[spmem:s3] =	stream.indirect.scatter.add.f32 [tilespmem:s28], [sflag:$0x9], $0x80, s29, s20, $0xb8;
	[tilespmem:$0x1E100] =	vst v63  }
0x9f: {  	_ =	swait.ge [sflag:s2], $0x2800  }
0xa0: {  	[sflag:s2] =	ssyncset.done $0x0  }
0xa1: {  	[sflag:s2] =	ssyncadd.s32 $0xFFFFD800  }
0xa2: {  	_ =	swait.ge [sflag:s30], $0x2800  }
0xa3: {  	[sflag:s30] =	ssyncset.done $0x0  }
0xa4: {  	[sflag:s30] =	ssyncadd.s32 $0xFFFFD800  }
0xa5: {  	_ =	swait.ge [sflag:s31], $0x50  }
0xa6: {  	[sflag:s31] =	ssyncset.done $0x0  }
0xa7: {  	[sflag:s31] =	ssyncadd.s32 $0xFFFFFFB0  }
0xa8: {  	[spmem:s3] =	stream.indirect.scatter.add.f32 [tilespmem:s21], [sflag:$0x9], $0x80, s22, s20, $0xb8;
	[tilespmem:$0x1E100] =	vst v63  }
0xa9: {  	_ =	swait.ge [sflag:s2], $0x2800  }
0xaa: {  	[sflag:s2] =	ssyncset.done $0x0  }
0xab: {  	[sflag:s2] =	ssyncadd.s32 $0xFFFFD800  }
0xac: {  	_ =	swait.ge [sflag:s0], $0x2800  }
0xad: {  	[sflag:s0] =	ssyncset.done $0x0  }
0xae: {  	[sflag:s0] =	ssyncadd.s32 $0xFFFFD800  }
0xaf: {  	_ =	swait.ge [sflag:s23], $0x50  }
0xb0: {  	[sflag:s23] =	ssyncset.done $0x0  }
0xb1: {  	[sflag:s23] =	ssyncadd.s32 $0xFFFFFFB0  }
0xb2: {  	[spmem:s3] =	stream.indirect.scatter.add.f32 [tilespmem:s24], [sflag:$0x9], $0x80, s25, s20, $0xb8;
	[tilespmem:$0x1E100] =	vst v63  }
0xb3: {  	_ =	swait.ge [sflag:s2], $0x2800  }
0xb4: {  	[sflag:s2] =	ssyncset.done $0x0  }
0xb5: {  	[sflag:s2] =	ssyncadd.s32 $0xFFFFD800  }
0xb6: {  	[bflag:$0x0] =	sbarrier.arrive $0xFFFF  }
0xb7: {  	s17 =	rddreg [dreg:$0x6]  }
0xb8: {  	s19 =	rddreg [dreg:$0xa];
	s8 =	sor.u32 $0x1C09, s17  }
0xb9: {  	[hbm:s19], [sflag:s8] =	dma.local [spmem:s18], $0x2800  }
0xba: {  	_ =	swait.ge [sflag:s2], $0x2800  }
0xbb: {  	s9 =	sadd.s32 $0x1, s9;
	s26 =	rddreg [dreg:$0xb]  }
0xbc: {  	p0 =	sne.s32 s9, s26  }
.Ltmp1:
0xbd: {  	_ = 	snop;
	(pc) =	sbr.rel @p0 .LBB2_1-.Ltmp1, $3  }
0xbe: {  	_ =	sdelay $0x1  }
0xbf: {  	[sflag:s2] =	ssyncset.done $0x0  }
0xc0: {  	[sflag:s2] =	ssyncadd.s32 $0xFFFFD800  }
0xc1: {  	_ =	sfence.sel $0x180000  }
0xc2: {  	[bflag:$0x0] =	sbarrier.arrive $0xFFFF  }
0xc3: {  	_ =	strace $0x9000004A  }
0xc4: {  	s0 =	stileid.u32;
	[bflag:$0x2] =	sbarrier.arrive $0xFFFF  }
0xc5: {  	p0 =	sne.s32 s0, $0x0;
	s0 =	rddreg [dreg:$0x3]  }
0xc6: {  	s0 =	sadd.s32 @!p0 $0x100000, s0  }
0xc7: {  	[sflag:s0] =	ssyncadd.tile.s32 @!p0 $0x1;
	_ =	shalt  }
.Lfunc_end2:
_tile_overlayer_lowered:
.L_overlay_start_2:
0xc8: {  	(tag) =	ssettag $0x2  }
0xc9: {  	s0 =	rddreg [dreg:$0x0];
	s2 =	stileid.u32  }
0xca: {  	s1 =	rddreg [dreg:$0x1];
	p0 =	sne.s32 s2, $0x0  }
0xcb: {  	s3 =	rddreg [dreg:$0x2];
	[bflag:$0x3] =	sbarrier.arrive $0xFFFF;
	s2 =	simm.s32 @!p0 $0x1C09  }
0xcc: {  	[timem:s3], [sflag:s2] =	dma.local @!p0 [hbm:s0], s1  }
0xcd: {  	s0 =	simm.s32 @!p0 $0x9  }
0xce: {  	_ =	swait.ge @!p0 [sflag:s0], s1  }
0xcf: {  	s1 =	ssub.s32 @!p0 $0x0, s1;
	[sflag:s0] =	ssyncset.done @!p0 $0x0  }
0xd0: {  	[sflag:s0] =	ssyncadd.s32 @!p0 s1  }
0xd1: {  	[bflag:$0x3] =	sbarrier.arrive $0xFFFF  }
0xd2: {  	_ =	shalt  }

</sc_bundles>
